<compile_context>
chip_gen: v7x
topology: tpu7x:2x2x1
jax: 0.10.2.dev20260603
libtpu: 0.0.44.dev20260713+nightly
codegen_flags: <defaults>
</compile_context>

<pallas_src>
import functools

import jax
import jax.numpy as jnp
from jax import lax
from jax.experimental import pallas as pl
from jax.experimental.pallas import tpu as pltpu
from jax.experimental.pallas import tpu_sc as plsc

_NULL_INDEX = 100000

_NUM_CORES = 2
_NUM_SUBCORES = 16
_LANES = 16
_NW = _NUM_CORES * _NUM_SUBCORES

_IDX_CHUNK = 128
_DPAD = 128


def _build_embed(B, D):
  assert B % (8 * _NW) == 0
  bpw = B // _NW
  nchunk = bpw // _IDX_CHUNK
  assert nchunk * _IDX_CHUNK == bpw
  ncg = D // _LANES

  mesh = plsc.VectorSubcoreMesh(core_axis_name="c", subcore_axis_name="s")

  @functools.partial(
      pl.kernel,
      mesh=mesh,
      out_type=jax.ShapeDtypeStruct((B * D,), jnp.float32),
      compiler_params=pltpu.CompilerParams(use_tc_tiling_on_sc=True,
                                           needs_layout_passes=False),
      scratch_types=[
          pltpu.VMEM((bpw // 4,), jnp.int32),
          pltpu.VMEM((nchunk, _IDX_CHUNK), jnp.int32),
          pltpu.VMEM((1, _DPAD), jnp.float32),
          pltpu.VMEM((bpw, _DPAD), jnp.float32),
          pltpu.VMEM((bpw * D,), jnp.float32),
          pltpu.SemaphoreType.DMA,
      ],
  )
  def embed(labels_hbm, dropw_hbm, table_hbm, out_hbm,
            dropw_v, idx_v, null_v, rows_v, out_v, sem):
    wid = lax.axis_index("s") * _NUM_CORES + lax.axis_index("c")
    base = pl.multiple_of(wid * bpw, bpw)
    base4 = pl.multiple_of(wid * (bpw // 4), bpw // 4)
    for j in range(nchunk):
      pltpu.sync_copy(labels_hbm.at[pl.ds(base + j * _IDX_CHUNK, _IDX_CHUNK)],
                      idx_v.at[j])
    pltpu.sync_copy(dropw_hbm.at[pl.ds(base4, bpw // 4)], dropw_v)
    pltpu.sync_copy(table_hbm.at[pl.ds(_NULL_INDEX, 1)], null_v)
    copies = []
    for j in range(nchunk):
      copies.append(
          pltpu.async_copy(
              table_hbm.at[idx_v.at[j]],
              rows_v.at[pl.ds(j * _IDX_CHUNK, _IDX_CHUNK)],
              sem,
          ))
    for c in copies:
      c.wait()

    null_cg = [null_v[0, pl.ds(cg * _LANES, _LANES)] for cg in range(ncg)]

    def blend_group(i, carry):
      for j in range(_LANES):
        word_idx = jnp.full((_LANES,), i * 4 + j // 4, jnp.int32)
        flagw = plsc.load_gather(dropw_v, [word_idx])
        flag = (flagw >> (8 * (j % 4))) & 0xFF
        pred = flag != 0
        r = i * _LANES + j
        for cg in range(ncg):
          cur = rows_v[r, pl.ds(cg * _LANES, _LANES)]
          out_v[pl.ds(r * D + cg * _LANES, _LANES)] = jnp.where(
              pred, null_cg[cg], cur)
      return carry

    lax.fori_loop(0, bpw // _LANES, blend_group, 0)
    baseo = pl.multiple_of(wid * (bpw * D), bpw * D)
    pltpu.sync_copy(out_v, out_hbm.at[pl.ds(baseo, bpw * D)])

  return embed


def _embed_call(labels, dropw, table_pad):
  B, = labels.shape
  out_flat = _build_embed(B, 64)(labels, dropw, table_pad)
  return out_flat.reshape(B, 64)


def kernel(labels, drop_labels, embedding_table):
  labels = labels.astype(jnp.int32)
  drop8 = drop_labels.view(jnp.int8)
  dropw = jax.lax.bitcast_convert_type(
      drop8.reshape(drop8.shape[0] // 4, 4), jnp.int32)
  table_pad = jnp.pad(embedding_table, ((0, 0), (0, _DPAD - 64)))
  return _embed_call(labels, dropw, table_pad)

# --- scband reference (transcript-rebuilt; emitter-appended) ---
"""Pipeline reference for scband-label-embedder-83348135346687 (READ-ONLY COPY).

The authoritative reference and input builder live on the scoring server;
editing this copy changes nothing except your own understanding.
"""

import jax, jax.numpy as jnp
import numpy as np

NUM_CLASSES = 100000
HIDDEN_SIZE = 64
BATCH = 16384

def setup_inputs(seed: int = 0) -> dict:
    key = jax.random.key(seed)
    k1, k2, k3 = jax.random.split(key, 3)
    labels = jax.random.randint(k1, (BATCH,), 0, NUM_CLASSES, dtype=jnp.int64 if jax.config.jax_enable_x64 else jnp.int32)
    drop_labels = jax.random.randint(k2, (BATCH,), 0, 2).astype(jnp.bool_)
    # embedding table has num_classes + 1 rows (last row is the null/CFG token)
    embedding_table = jax.random.normal(k3, (NUM_CLASSES + 1, HIDDEN_SIZE), dtype=jnp.float32)
    return {"labels": labels, "drop_labels": drop_labels, "embedding_table": embedding_table}

def reference(labels, drop_labels, embedding_table):
    # replace dropped labels with the null token index (= num_classes)
    labels = jnp.where(drop_labels, NUM_CLASSES, labels)
    embeddings = jnp.take(embedding_table, labels, axis=0)
    return embeddings

if __name__ == "__main__":
    import jax
    _d = setup_inputs()
    print(jax.jit(kernel)(*tuple(_d.values())))

</pallas_src>

<mosaic_0001>
#map = affine_map<(d0, d1) -> (0)>
#map1 = affine_map<(d0, d1) -> (0, 0)>
module attributes {stable_mosaic.version = 14 : i64} {
  func.func @embed(%arg0: i32, %arg1: i32, %arg2: memref<16384xi32, #tpu.memory_space<hbm>>, %arg3: memref<4096xi32, #tpu.memory_space<hbm>>, %arg4: memref<100001x128xf32, #tpu.memory_space<hbm>>, %arg5: memref<1048576xf32, #tpu.memory_space<hbm>>, %arg6: memref<128xi32, #tpu.memory_space<vmem>>, %arg7: memref<4x128xi32, #tpu.memory_space<vmem>>, %arg8: memref<1x128xf32, #tpu.memory_space<vmem>>, %arg9: memref<512x128xf32, #tpu.memory_space<vmem>>, %arg10: memref<32768xf32, #tpu.memory_space<vmem>>, %arg11: memref<!tpu.dma_semaphore, #tpu.memory_space<semaphore_mem>>) attributes {dimension_semantics = [#tpu.dimension_semantics<core_parallel>, #tpu.dimension_semantics<subcore_parallel>], iteration_bounds = array<i64: 2, 16>, scalar_prefetch = 0 : i64, scratch_operands = 6 : i64, tpu.core_type = #tpu.core_type<sc_vector_subcore>, window_params = [{transform_indices = #map}, {transform_indices = #map}, {transform_indices = #map1}, {transform_indices = #map}]} {
    %mul3A = arith.constant 2 : i32
    %mul3A_0 = arith.muli %arg1, %mul3A : i32
    %add3A = arith.addi %mul3A_0, %arg0 : i32
    %mul3A_1 = arith.constant 512 : i32
    %mul3A_2 = arith.muli %add3A, %mul3A_1 : i32
    %multiple_of3A = tpu.assume_multiple %mul3A_2, 512 : i32
    %mul3A_3 = arith.constant 128 : i32
    %mul3A_4 = arith.muli %add3A, %mul3A_3 : i32
    %multiple_of3A_5 = tpu.assume_multiple %mul3A_4, 128 : i32
    %add3A_6 = arith.constant 0 : i32
    %add3A_7 = arith.addi %multiple_of3A, %add3A_6 : i32
    %run_scoped3A = arith.constant 0 : i32
    "tpu.region"() ({
      %run_scoped3A_118 = tpu.sem_alloc : memref<!tpu.dma_semaphore, #tpu.memory_space<semaphore_mem>>
      %dma_start3A_119 = arith.constant 0 : i32
      %dma_start3A_120 = tpu.memref_slice %arg7[%run_scoped3A, %dma_start3A_119] : memref<4x128xi32, #tpu.memory_space<vmem>> -> memref<1x128xi32, #tpu.memory_space<vmem>>
      %dma_start3A_121 = tpu.memref_squeeze %dma_start3A_120 : memref<1x128xi32, #tpu.memory_space<vmem>> -> memref<128xi32, #tpu.memory_space<vmem>>
      %dma_start3A_122 = tpu.memref_slice %arg2[%add3A_7] : memref<16384xi32, #tpu.memory_space<hbm>> -> memref<128xi32, #tpu.memory_space<hbm>>
      %dma_start3A_123 = arith.constant 0 : i32
      %dma_start3A_124 = tpu.memref_slice %arg7[%run_scoped3A, %dma_start3A_123] : memref<4x128xi32, #tpu.memory_space<vmem>> -> memref<1x128xi32, #tpu.memory_space<vmem>>
      %dma_start3A_125 = tpu.memref_squeeze %dma_start3A_124 : memref<1x128xi32, #tpu.memory_space<vmem>> -> memref<128xi32, #tpu.memory_space<vmem>>
      %dma_start3A_126 = tpu.memref_slice %arg2[%add3A_7] : memref<16384xi32, #tpu.memory_space<hbm>> -> memref<128xi32, #tpu.memory_space<hbm>>
      tpu.enqueue_dma source(%dma_start3A_126 : memref<128xi32, #tpu.memory_space<hbm>>) target(%dma_start3A_125 : memref<128xi32, #tpu.memory_space<vmem>>) target_semaphore(%run_scoped3A_118 : memref<!tpu.dma_semaphore, #tpu.memory_space<semaphore_mem>>)
      %dma_wait3A_127 = arith.constant 0 : i32
      %dma_wait3A_128 = tpu.memref_slice %arg7[%run_scoped3A, %dma_wait3A_127] : memref<4x128xi32, #tpu.memory_space<vmem>> -> memref<1x128xi32, #tpu.memory_space<vmem>>
      %dma_wait3A_129 = tpu.memref_squeeze %dma_wait3A_128 : memref<1x128xi32, #tpu.memory_space<vmem>> -> memref<128xi32, #tpu.memory_space<vmem>>
      %dma_wait3A_130 = tpu.memref_slice %arg2[%add3A_7] : memref<16384xi32, #tpu.memory_space<hbm>> -> memref<128xi32, #tpu.memory_space<hbm>>
      %dma_wait3A_131 = arith.constant 0 : i32
      %dma_wait3A_132 = tpu.memref_slice %arg7[%run_scoped3A, %dma_wait3A_131] : memref<4x128xi32, #tpu.memory_space<vmem>> -> memref<1x128xi32, #tpu.memory_space<vmem>>
      %dma_wait3A_133 = tpu.memref_squeeze %dma_wait3A_132 : memref<1x128xi32, #tpu.memory_space<vmem>> -> memref<128xi32, #tpu.memory_space<vmem>>
      %dma_wait3A_134 = tpu.memref_slice %arg2[%add3A_7] : memref<16384xi32, #tpu.memory_space<hbm>> -> memref<128xi32, #tpu.memory_space<hbm>>
      tpu.wait_dma2 semaphore(%run_scoped3A_118 : memref<!tpu.dma_semaphore, #tpu.memory_space<semaphore_mem>>) src(%dma_wait3A_134 : memref<128xi32, #tpu.memory_space<hbm>>) dst(%dma_wait3A_133 : memref<128xi32, #tpu.memory_space<vmem>>)
      tpu.yield
    }) : () -> ()
    %add3A_8 = arith.constant 128 : i32
    %add3A_9 = arith.addi %multiple_of3A, %add3A_8 : i32
    %run_scoped3A_10 = arith.constant 1 : i32
    "tpu.region"() ({
      %run_scoped3A_118 = tpu.sem_alloc : memref<!tpu.dma_semaphore, #tpu.memory_space<semaphore_mem>>
      %dma_start3A_119 = arith.constant 0 : i32
      %dma_start3A_120 = tpu.memref_slice %arg7[%run_scoped3A_10, %dma_start3A_119] : memref<4x128xi32, #tpu.memory_space<vmem>> -> memref<1x128xi32, #tpu.memory_space<vmem>>
      %dma_start3A_121 = tpu.memref_squeeze %dma_start3A_120 : memref<1x128xi32, #tpu.memory_space<vmem>> -> memref<128xi32, #tpu.memory_space<vmem>>
      %dma_start3A_122 = tpu.memref_slice %arg2[%add3A_9] : memref<16384xi32, #tpu.memory_space<hbm>> -> memref<128xi32, #tpu.memory_space<hbm>>
      %dma_start3A_123 = arith.constant 0 : i32
      %dma_start3A_124 = tpu.memref_slice %arg7[%run_scoped3A_10, %dma_start3A_123] : memref<4x128xi32, #tpu.memory_space<vmem>> -> memref<1x128xi32, #tpu.memory_space<vmem>>
      %dma_start3A_125 = tpu.memref_squeeze %dma_start3A_124 : memref<1x128xi32, #tpu.memory_space<vmem>> -> memref<128xi32, #tpu.memory_space<vmem>>
      %dma_start3A_126 = tpu.memref_slice %arg2[%add3A_9] : memref<16384xi32, #tpu.memory_space<hbm>> -> memref<128xi32, #tpu.memory_space<hbm>>
      tpu.enqueue_dma source(%dma_start3A_126 : memref<128xi32, #tpu.memory_space<hbm>>) target(%dma_start3A_125 : memref<128xi32, #tpu.memory_space<vmem>>) target_semaphore(%run_scoped3A_118 : memref<!tpu.dma_semaphore, #tpu.memory_space<semaphore_mem>>)
      %dma_wait3A_127 = arith.constant 0 : i32
      %dma_wait3A_128 = tpu.memref_slice %arg7[%run_scoped3A_10, %dma_wait3A_127] : memref<4x128xi32, #tpu.memory_space<vmem>> -> memref<1x128xi32, #tpu.memory_space<vmem>>
      %dma_wait3A_129 = tpu.memref_squeeze %dma_wait3A_128 : memref<1x128xi32, #tpu.memory_space<vmem>> -> memref<128xi32, #tpu.memory_space<vmem>>
      %dma_wait3A_130 = tpu.memref_slice %arg2[%add3A_9] : memref<16384xi32, #tpu.memory_space<hbm>> -> memref<128xi32, #tpu.memory_space<hbm>>
      %dma_wait3A_131 = arith.constant 0 : i32
      %dma_wait3A_132 = tpu.memref_slice %arg7[%run_scoped3A_10, %dma_wait3A_131] : memref<4x128xi32, #tpu.memory_space<vmem>> -> memref<1x128xi32, #tpu.memory_space<vmem>>
      %dma_wait3A_133 = tpu.memref_squeeze %dma_wait3A_132 : memref<1x128xi32, #tpu.memory_space<vmem>> -> memref<128xi32, #tpu.memory_space<vmem>>
      %dma_wait3A_134 = tpu.memref_slice %arg2[%add3A_9] : memref<16384xi32, #tpu.memory_space<hbm>> -> memref<128xi32, #tpu.memory_space<hbm>>
      tpu.wait_dma2 semaphore(%run_scoped3A_118 : memref<!tpu.dma_semaphore, #tpu.memory_space<semaphore_mem>>) src(%dma_wait3A_134 : memref<128xi32, #tpu.memory_space<hbm>>) dst(%dma_wait3A_133 : memref<128xi32, #tpu.memory_space<vmem>>)
      tpu.yield
    }) : () -> ()
    %add3A_11 = arith.constant 256 : i32
    %add3A_12 = arith.addi %multiple_of3A, %add3A_11 : i32
    %run_scoped3A_13 = arith.constant 2 : i32
    "tpu.region"() ({
      %run_scoped3A_118 = tpu.sem_alloc : memref<!tpu.dma_semaphore, #tpu.memory_space<semaphore_mem>>
      %dma_start3A_119 = arith.constant 0 : i32
      %dma_start3A_120 = tpu.memref_slice %arg7[%run_scoped3A_13, %dma_start3A_119] : memref<4x128xi32, #tpu.memory_space<vmem>> -> memref<1x128xi32, #tpu.memory_space<vmem>>
      %dma_start3A_121 = tpu.memref_squeeze %dma_start3A_120 : memref<1x128xi32, #tpu.memory_space<vmem>> -> memref<128xi32, #tpu.memory_space<vmem>>
      %dma_start3A_122 = tpu.memref_slice %arg2[%add3A_12] : memref<16384xi32, #tpu.memory_space<hbm>> -> memref<128xi32, #tpu.memory_space<hbm>>
      %dma_start3A_123 = arith.constant 0 : i32
      %dma_start3A_124 = tpu.memref_slice %arg7[%run_scoped3A_13, %dma_start3A_123] : memref<4x128xi32, #tpu.memory_space<vmem>> -> memref<1x128xi32, #tpu.memory_space<vmem>>
      %dma_start3A_125 = tpu.memref_squeeze %dma_start3A_124 : memref<1x128xi32, #tpu.memory_space<vmem>> -> memref<128xi32, #tpu.memory_space<vmem>>
      %dma_start3A_126 = tpu.memref_slice %arg2[%add3A_12] : memref<16384xi32, #tpu.memory_space<hbm>> -> memref<128xi32, #tpu.memory_space<hbm>>
      tpu.enqueue_dma source(%dma_start3A_126 : memref<128xi32, #tpu.memory_space<hbm>>) target(%dma_start3A_125 : memref<128xi32, #tpu.memory_space<vmem>>) target_semaphore(%run_scoped3A_118 : memref<!tpu.dma_semaphore, #tpu.memory_space<semaphore_mem>>)
      %dma_wait3A_127 = arith.constant 0 : i32
      %dma_wait3A_128 = tpu.memref_slice %arg7[%run_scoped3A_13, %dma_wait3A_127] : memref<4x128xi32, #tpu.memory_space<vmem>> -> memref<1x128xi32, #tpu.memory_space<vmem>>
      %dma_wait3A_129 = tpu.memref_squeeze %dma_wait3A_128 : memref<1x128xi32, #tpu.memory_space<vmem>> -> memref<128xi32, #tpu.memory_space<vmem>>
      %dma_wait3A_130 = tpu.memref_slice %arg2[%add3A_12] : memref<16384xi32, #tpu.memory_space<hbm>> -> memref<128xi32, #tpu.memory_space<hbm>>
      %dma_wait3A_131 = arith.constant 0 : i32
      %dma_wait3A_132 = tpu.memref_slice %arg7[%run_scoped3A_13, %dma_wait3A_131] : memref<4x128xi32, #tpu.memory_space<vmem>> -> memref<1x128xi32, #tpu.memory_space<vmem>>
      %dma_wait3A_133 = tpu.memref_squeeze %dma_wait3A_132 : memref<1x128xi32, #tpu.memory_space<vmem>> -> memref<128xi32, #tpu.memory_space<vmem>>
      %dma_wait3A_134 = tpu.memref_slice %arg2[%add3A_12] : memref<16384xi32, #tpu.memory_space<hbm>> -> memref<128xi32, #tpu.memory_space<hbm>>
      tpu.wait_dma2 semaphore(%run_scoped3A_118 : memref<!tpu.dma_semaphore, #tpu.memory_space<semaphore_mem>>) src(%dma_wait3A_134 : memref<128xi32, #tpu.memory_space<hbm>>) dst(%dma_wait3A_133 : memref<128xi32, #tpu.memory_space<vmem>>)
      tpu.yield
    }) : () -> ()
    %add3A_14 = arith.constant 384 : i32
    %add3A_15 = arith.addi %multiple_of3A, %add3A_14 : i32
    %run_scoped3A_16 = arith.constant 3 : i32
    "tpu.region"() ({
      %run_scoped3A_118 = tpu.sem_alloc : memref<!tpu.dma_semaphore, #tpu.memory_space<semaphore_mem>>
      %dma_start3A_119 = arith.constant 0 : i32
      %dma_start3A_120 = tpu.memref_slice %arg7[%run_scoped3A_16, %dma_start3A_119] : memref<4x128xi32, #tpu.memory_space<vmem>> -> memref<1x128xi32, #tpu.memory_space<vmem>>
      %dma_start3A_121 = tpu.memref_squeeze %dma_start3A_120 : memref<1x128xi32, #tpu.memory_space<vmem>> -> memref<128xi32, #tpu.memory_space<vmem>>
      %dma_start3A_122 = tpu.memref_slice %arg2[%add3A_15] : memref<16384xi32, #tpu.memory_space<hbm>> -> memref<128xi32, #tpu.memory_space<hbm>>
      %dma_start3A_123 = arith.constant 0 : i32
      %dma_start3A_124 = tpu.memref_slice %arg7[%run_scoped3A_16, %dma_start3A_123] : memref<4x128xi32, #tpu.memory_space<vmem>> -> memref<1x128xi32, #tpu.memory_space<vmem>>
      %dma_start3A_125 = tpu.memref_squeeze %dma_start3A_124 : memref<1x128xi32, #tpu.memory_space<vmem>> -> memref<128xi32, #tpu.memory_space<vmem>>
      %dma_start3A_126 = tpu.memref_slice %arg2[%add3A_15] : memref<16384xi32, #tpu.memory_space<hbm>> -> memref<128xi32, #tpu.memory_space<hbm>>
      tpu.enqueue_dma source(%dma_start3A_126 : memref<128xi32, #tpu.memory_space<hbm>>) target(%dma_start3A_125 : memref<128xi32, #tpu.memory_space<vmem>>) target_semaphore(%run_scoped3A_118 : memref<!tpu.dma_semaphore, #tpu.memory_space<semaphore_mem>>)
      %dma_wait3A_127 = arith.constant 0 : i32
      %dma_wait3A_128 = tpu.memref_slice %arg7[%run_scoped3A_16, %dma_wait3A_127] : memref<4x128xi32, #tpu.memory_space<vmem>> -> memref<1x128xi32, #tpu.memory_space<vmem>>
      %dma_wait3A_129 = tpu.memref_squeeze %dma_wait3A_128 : memref<1x128xi32, #tpu.memory_space<vmem>> -> memref<128xi32, #tpu.memory_space<vmem>>
      %dma_wait3A_130 = tpu.memref_slice %arg2[%add3A_15] : memref<16384xi32, #tpu.memory_space<hbm>> -> memref<128xi32, #tpu.memory_space<hbm>>
      %dma_wait3A_131 = arith.constant 0 : i32
      %dma_wait3A_132 = tpu.memref_slice %arg7[%run_scoped3A_16, %dma_wait3A_131] : memref<4x128xi32, #tpu.memory_space<vmem>> -> memref<1x128xi32, #tpu.memory_space<vmem>>
      %dma_wait3A_133 = tpu.memref_squeeze %dma_wait3A_132 : memref<1x128xi32, #tpu.memory_space<vmem>> -> memref<128xi32, #tpu.memory_space<vmem>>
      %dma_wait3A_134 = tpu.memref_slice %arg2[%add3A_15] : memref<16384xi32, #tpu.memory_space<hbm>> -> memref<128xi32, #tpu.memory_space<hbm>>
      tpu.wait_dma2 semaphore(%run_scoped3A_118 : memref<!tpu.dma_semaphore, #tpu.memory_space<semaphore_mem>>) src(%dma_wait3A_134 : memref<128xi32, #tpu.memory_space<hbm>>) dst(%dma_wait3A_133 : memref<128xi32, #tpu.memory_space<vmem>>)
      tpu.yield
    }) : () -> ()
    "tpu.region"() ({
      %run_scoped3A_118 = tpu.sem_alloc : memref<!tpu.dma_semaphore, #tpu.memory_space<semaphore_mem>>
      %dma_start3A_119 = tpu.memref_slice %arg3[%multiple_of3A_5] : memref<4096xi32, #tpu.memory_space<hbm>> -> memref<128xi32, #tpu.memory_space<hbm>>
      %dma_start3A_120 = tpu.memref_slice %arg3[%multiple_of3A_5] : memref<4096xi32, #tpu.memory_space<hbm>> -> memref<128xi32, #tpu.memory_space<hbm>>
      tpu.enqueue_dma source(%dma_start3A_120 : memref<128xi32, #tpu.memory_space<hbm>>) target(%arg6 : memref<128xi32, #tpu.memory_space<vmem>>) target_semaphore(%run_scoped3A_118 : memref<!tpu.dma_semaphore, #tpu.memory_space<semaphore_mem>>)
      %dma_wait3A_121 = tpu.memref_slice %arg3[%multiple_of3A_5] : memref<4096xi32, #tpu.memory_space<hbm>> -> memref<128xi32, #tpu.memory_space<hbm>>
      %dma_wait3A_122 = tpu.memref_slice %arg3[%multiple_of3A_5] : memref<4096xi32, #tpu.memory_space<hbm>> -> memref<128xi32, #tpu.memory_space<hbm>>
      tpu.wait_dma2 semaphore(%run_scoped3A_118 : memref<!tpu.dma_semaphore, #tpu.memory_space<semaphore_mem>>) src(%dma_wait3A_122 : memref<128xi32, #tpu.memory_space<hbm>>) dst(%arg6 : memref<128xi32, #tpu.memory_space<vmem>>)
      tpu.yield
    }) : () -> ()
    "tpu.region"() ({
      %run_scoped3A_118 = tpu.sem_alloc : memref<!tpu.dma_semaphore, #tpu.memory_space<semaphore_mem>>
      %dma_start3A_119 = arith.constant 100000 : i32
      %dma_start3A_120 = arith.constant 0 : i32
      %dma_start3A_121 = tpu.memref_slice %arg4[%dma_start3A_119, %dma_start3A_120] : memref<100001x128xf32, #tpu.memory_space<hbm>> -> memref<1x128xf32, #tpu.memory_space<hbm>>
      %dma_start3A_122 = arith.constant 100000 : i32
      %dma_start3A_123 = arith.constant 0 : i32
      %dma_start3A_124 = tpu.memref_slice %arg4[%dma_start3A_122, %dma_start3A_123] : memref<100001x128xf32, #tpu.memory_space<hbm>> -> memref<1x128xf32, #tpu.memory_space<hbm>>
      tpu.enqueue_dma source(%dma_start3A_124 : memref<1x128xf32, #tpu.memory_space<hbm>>) target(%arg8 : memref<1x128xf32, #tpu.memory_space<vmem>>) target_semaphore(%run_scoped3A_118 : memref<!tpu.dma_semaphore, #tpu.memory_space<semaphore_mem>>)
      %dma_wait3A_125 = arith.constant 100000 : i32
      %dma_wait3A_126 = arith.constant 0 : i32
      %dma_wait3A_127 = tpu.memref_slice %arg4[%dma_wait3A_125, %dma_wait3A_126] : memref<100001x128xf32, #tpu.memory_space<hbm>> -> memref<1x128xf32, #tpu.memory_space<hbm>>
      %dma_wait3A_128 = arith.constant 100000 : i32
      %dma_wait3A_129 = arith.constant 0 : i32
      %dma_wait3A_130 = tpu.memref_slice %arg4[%dma_wait3A_128, %dma_wait3A_129] : memref<100001x128xf32, #tpu.memory_space<hbm>> -> memref<1x128xf32, #tpu.memory_space<hbm>>
      tpu.wait_dma2 semaphore(%run_scoped3A_118 : memref<!tpu.dma_semaphore, #tpu.memory_space<semaphore_mem>>) src(%dma_wait3A_130 : memref<1x128xf32, #tpu.memory_space<hbm>>) dst(%arg8 : memref<1x128xf32, #tpu.memory_space<vmem>>)
      tpu.yield
    }) : () -> ()
    %dma_start3A = arith.constant 0 : i32
    %dma_start3A_17 = arith.constant 0 : i32
    %dma_start3A_18 = arith.constant 0 : i32
    %dma_start3A_19 = tpu.memref_slice %arg9[%dma_start3A_17, %dma_start3A_18] : memref<512x128xf32, #tpu.memory_space<vmem>> -> memref<128x128xf32, #tpu.memory_space<vmem>>
    %dma_start3A_20 = arith.constant 0 : i32
    %dma_start3A_21 = tpu.memref_slice %arg7[%dma_start3A, %dma_start3A_20] : memref<4x128xi32, #tpu.memory_space<vmem>> -> memref<1x128xi32, #tpu.memory_space<vmem>>
    %dma_start3A_22 = tpu.memref_squeeze %dma_start3A_21 : memref<1x128xi32, #tpu.memory_space<vmem>> -> memref<128xi32, #tpu.memory_space<vmem>>
    %dma_start3A_23 = arith.constant 0 : i32
    %dma_start3A_24 = arith.constant 0 : i32
    %dma_start3A_25 = tpu.memref_slice %arg4[%dma_start3A_23, %dma_start3A_24] : memref<100001x128xf32, #tpu.memory_space<hbm>> -> memref<100001x128xf32, #tpu.memory_space<hbm>>
    tpu.enqueue_indirect_dma source(%dma_start3A_25 : memref<100001x128xf32, #tpu.memory_space<hbm>>) target(%dma_start3A_19 : memref<128x128xf32, #tpu.memory_space<vmem>>) offsets(%dma_start3A_22 : memref<128xi32, #tpu.memory_space<vmem>>) semaphore(%arg11 : memref<!tpu.dma_semaphore, #tpu.memory_space<semaphore_mem>>)
    %dma_start3A_26 = arith.constant 1 : i32
    %dma_start3A_27 = arith.constant 128 : i32
    %dma_start3A_28 = arith.constant 0 : i32
    %dma_start3A_29 = tpu.memref_slice %arg9[%dma_start3A_27, %dma_start3A_28] : memref<512x128xf32, #tpu.memory_space<vmem>> -> memref<128x128xf32, #tpu.memory_space<vmem>>
    %dma_start3A_30 = arith.constant 0 : i32
    %dma_start3A_31 = tpu.memref_slice %arg7[%dma_start3A_26, %dma_start3A_30] : memref<4x128xi32, #tpu.memory_space<vmem>> -> memref<1x128xi32, #tpu.memory_space<vmem>>
    %dma_start3A_32 = tpu.memref_squeeze %dma_start3A_31 : memref<1x128xi32, #tpu.memory_space<vmem>> -> memref<128xi32, #tpu.memory_space<vmem>>
    %dma_start3A_33 = arith.constant 0 : i32
    %dma_start3A_34 = arith.constant 0 : i32
    %dma_start3A_35 = tpu.memref_slice %arg4[%dma_start3A_33, %dma_start3A_34] : memref<100001x128xf32, #tpu.memory_space<hbm>> -> memref<100001x128xf32, #tpu.memory_space<hbm>>
    tpu.enqueue_indirect_dma source(%dma_start3A_35 : memref<100001x128xf32, #tpu.memory_space<hbm>>) target(%dma_start3A_29 : memref<128x128xf32, #tpu.memory_space<vmem>>) offsets(%dma_start3A_32 : memref<128xi32, #tpu.memory_space<vmem>>) semaphore(%arg11 : memref<!tpu.dma_semaphore, #tpu.memory_space<semaphore_mem>>)
    %dma_start3A_36 = arith.constant 2 : i32
    %dma_start3A_37 = arith.constant 256 : i32
    %dma_start3A_38 = arith.constant 0 : i32
    %dma_start3A_39 = tpu.memref_slice %arg9[%dma_start3A_37, %dma_start3A_38] : memref<512x128xf32, #tpu.memory_space<vmem>> -> memref<128x128xf32, #tpu.memory_space<vmem>>
    %dma_start3A_40 = arith.constant 0 : i32
    %dma_start3A_41 = tpu.memref_slice %arg7[%dma_start3A_36, %dma_start3A_40] : memref<4x128xi32, #tpu.memory_space<vmem>> -> memref<1x128xi32, #tpu.memory_space<vmem>>
    %dma_start3A_42 = tpu.memref_squeeze %dma_start3A_41 : memref<1x128xi32, #tpu.memory_space<vmem>> -> memref<128xi32, #tpu.memory_space<vmem>>
    %dma_start3A_43 = arith.constant 0 : i32
    %dma_start3A_44 = arith.constant 0 : i32
    %dma_start3A_45 = tpu.memref_slice %arg4[%dma_start3A_43, %dma_start3A_44] : memref<100001x128xf32, #tpu.memory_space<hbm>> -> memref<100001x128xf32, #tpu.memory_space<hbm>>
    tpu.enqueue_indirect_dma source(%dma_start3A_45 : memref<100001x128xf32, #tpu.memory_space<hbm>>) target(%dma_start3A_39 : memref<128x128xf32, #tpu.memory_space<vmem>>) offsets(%dma_start3A_42 : memref<128xi32, #tpu.memory_space<vmem>>) semaphore(%arg11 : memref<!tpu.dma_semaphore, #tpu.memory_space<semaphore_mem>>)
    %dma_start3A_46 = arith.constant 3 : i32
    %dma_start3A_47 = arith.constant 384 : i32
    %dma_start3A_48 = arith.constant 0 : i32
    %dma_start3A_49 = tpu.memref_slice %arg9[%dma_start3A_47, %dma_start3A_48] : memref<512x128xf32, #tpu.memory_space<vmem>> -> memref<128x128xf32, #tpu.memory_space<vmem>>
    %dma_start3A_50 = arith.constant 0 : i32
    %dma_start3A_51 = tpu.memref_slice %arg7[%dma_start3A_46, %dma_start3A_50] : memref<4x128xi32, #tpu.memory_space<vmem>> -> memref<1x128xi32, #tpu.memory_space<vmem>>
    %dma_start3A_52 = tpu.memref_squeeze %dma_start3A_51 : memref<1x128xi32, #tpu.memory_space<vmem>> -> memref<128xi32, #tpu.memory_space<vmem>>
    %dma_start3A_53 = arith.constant 0 : i32
    %dma_start3A_54 = arith.constant 0 : i32
    %dma_start3A_55 = tpu.memref_slice %arg4[%dma_start3A_53, %dma_start3A_54] : memref<100001x128xf32, #tpu.memory_space<hbm>> -> memref<100001x128xf32, #tpu.memory_space<hbm>>
    tpu.enqueue_indirect_dma source(%dma_start3A_55 : memref<100001x128xf32, #tpu.memory_space<hbm>>) target(%dma_start3A_49 : memref<128x128xf32, #tpu.memory_space<vmem>>) offsets(%dma_start3A_52 : memref<128xi32, #tpu.memory_space<vmem>>) semaphore(%arg11 : memref<!tpu.dma_semaphore, #tpu.memory_space<semaphore_mem>>)
    %dma_wait3A = arith.constant 0 : i32
    %dma_wait3A_56 = arith.constant 0 : i32
    %dma_wait3A_57 = arith.constant 0 : i32
    %dma_wait3A_58 = tpu.memref_slice %arg9[%dma_wait3A_56, %dma_wait3A_57] : memref<512x128xf32, #tpu.memory_space<vmem>> -> memref<128x128xf32, #tpu.memory_space<vmem>>
    %dma_wait3A_59 = arith.constant 0 : i32
    %dma_wait3A_60 = tpu.memref_slice %arg7[%dma_wait3A, %dma_wait3A_59] : memref<4x128xi32, #tpu.memory_space<vmem>> -> memref<1x128xi32, #tpu.memory_space<vmem>>
    %dma_wait3A_61 = tpu.memref_squeeze %dma_wait3A_60 : memref<1x128xi32, #tpu.memory_space<vmem>> -> memref<128xi32, #tpu.memory_space<vmem>>
    %dma_wait3A_62 = arith.constant 0 : i32
    %dma_wait3A_63 = arith.constant 0 : i32
    %dma_wait3A_64 = tpu.memref_slice %arg4[%dma_wait3A_62, %dma_wait3A_63] : memref<100001x128xf32, #tpu.memory_space<hbm>> -> memref<100001x128xf32, #tpu.memory_space<hbm>>
    tpu.wait_indirect_dma semaphore(%arg11 : memref<!tpu.dma_semaphore, #tpu.memory_space<semaphore_mem>>) src(%dma_wait3A_64 : memref<100001x128xf32, #tpu.memory_space<hbm>>) dst(%dma_wait3A_58 : memref<128x128xf32, #tpu.memory_space<vmem>>)
    %dma_wait3A_65 = arith.constant 1 : i32
    %dma_wait3A_66 = arith.constant 128 : i32
    %dma_wait3A_67 = arith.constant 0 : i32
    %dma_wait3A_68 = tpu.memref_slice %arg9[%dma_wait3A_66, %dma_wait3A_67] : memref<512x128xf32, #tpu.memory_space<vmem>> -> memref<128x128xf32, #tpu.memory_space<vmem>>
    %dma_wait3A_69 = arith.constant 0 : i32
    %dma_wait3A_70 = tpu.memref_slice %arg7[%dma_wait3A_65, %dma_wait3A_69] : memref<4x128xi32, #tpu.memory_space<vmem>> -> memref<1x128xi32, #tpu.memory_space<vmem>>
    %dma_wait3A_71 = tpu.memref_squeeze %dma_wait3A_70 : memref<1x128xi32, #tpu.memory_space<vmem>> -> memref<128xi32, #tpu.memory_space<vmem>>
    %dma_wait3A_72 = arith.constant 0 : i32
    %dma_wait3A_73 = arith.constant 0 : i32
    %dma_wait3A_74 = tpu.memref_slice %arg4[%dma_wait3A_72, %dma_wait3A_73] : memref<100001x128xf32, #tpu.memory_space<hbm>> -> memref<100001x128xf32, #tpu.memory_space<hbm>>
    tpu.wait_indirect_dma semaphore(%arg11 : memref<!tpu.dma_semaphore, #tpu.memory_space<semaphore_mem>>) src(%dma_wait3A_74 : memref<100001x128xf32, #tpu.memory_space<hbm>>) dst(%dma_wait3A_68 : memref<128x128xf32, #tpu.memory_space<vmem>>)
    %dma_wait3A_75 = arith.constant 2 : i32
    %dma_wait3A_76 = arith.constant 256 : i32
    %dma_wait3A_77 = arith.constant 0 : i32
    %dma_wait3A_78 = tpu.memref_slice %arg9[%dma_wait3A_76, %dma_wait3A_77] : memref<512x128xf32, #tpu.memory_space<vmem>> -> memref<128x128xf32, #tpu.memory_space<vmem>>
    %dma_wait3A_79 = arith.constant 0 : i32
    %dma_wait3A_80 = tpu.memref_slice %arg7[%dma_wait3A_75, %dma_wait3A_79] : memref<4x128xi32, #tpu.memory_space<vmem>> -> memref<1x128xi32, #tpu.memory_space<vmem>>
    %dma_wait3A_81 = tpu.memref_squeeze %dma_wait3A_80 : memref<1x128xi32, #tpu.memory_space<vmem>> -> memref<128xi32, #tpu.memory_space<vmem>>
    %dma_wait3A_82 = arith.constant 0 : i32
    %dma_wait3A_83 = arith.constant 0 : i32
    %dma_wait3A_84 = tpu.memref_slice %arg4[%dma_wait3A_82, %dma_wait3A_83] : memref<100001x128xf32, #tpu.memory_space<hbm>> -> memref<100001x128xf32, #tpu.memory_space<hbm>>
    tpu.wait_indirect_dma semaphore(%arg11 : memref<!tpu.dma_semaphore, #tpu.memory_space<semaphore_mem>>) src(%dma_wait3A_84 : memref<100001x128xf32, #tpu.memory_space<hbm>>) dst(%dma_wait3A_78 : memref<128x128xf32, #tpu.memory_space<vmem>>)
    %dma_wait3A_85 = arith.constant 3 : i32
    %dma_wait3A_86 = arith.constant 384 : i32
    %dma_wait3A_87 = arith.constant 0 : i32
    %dma_wait3A_88 = tpu.memref_slice %arg9[%dma_wait3A_86, %dma_wait3A_87] : memref<512x128xf32, #tpu.memory_space<vmem>> -> memref<128x128xf32, #tpu.memory_space<vmem>>
    %dma_wait3A_89 = arith.constant 0 : i32
    %dma_wait3A_90 = tpu.memref_slice %arg7[%dma_wait3A_85, %dma_wait3A_89] : memref<4x128xi32, #tpu.memory_space<vmem>> -> memref<1x128xi32, #tpu.memory_space<vmem>>
    %dma_wait3A_91 = tpu.memref_squeeze %dma_wait3A_90 : memref<1x128xi32, #tpu.memory_space<vmem>> -> memref<128xi32, #tpu.memory_space<vmem>>
    %dma_wait3A_92 = arith.constant 0 : i32
    %dma_wait3A_93 = arith.constant 0 : i32
    %dma_wait3A_94 = tpu.memref_slice %arg4[%dma_wait3A_92, %dma_wait3A_93] : memref<100001x128xf32, #tpu.memory_space<hbm>> -> memref<100001x128xf32, #tpu.memory_space<hbm>>
    tpu.wait_indirect_dma semaphore(%arg11 : memref<!tpu.dma_semaphore, #tpu.memory_space<semaphore_mem>>) src(%dma_wait3A_94 : memref<100001x128xf32, #tpu.memory_space<hbm>>) dst(%dma_wait3A_88 : memref<128x128xf32, #tpu.memory_space<vmem>>)
    %get3A = arith.constant 0 : i32
    %get3A_95 = arith.index_cast %get3A : i32 to index
    %get3A_96 = arith.constant 0 : index
    %get3A_97 = tpu.vector_load %arg8[%get3A_95, %get3A_96] {strides = array<i32>} : memref<1x128xf32, #tpu.memory_space<vmem>>, vector<16xf32>,
    %get3A_98 = arith.constant 0 : i32
    %get3A_99 = arith.index_cast %get3A_98 : i32 to index
    %get3A_100 = arith.constant 16 : index
    %get3A_101 = tpu.vector_load %arg8[%get3A_99, %get3A_100] {strides = array<i32>} : memref<1x128xf32, #tpu.memory_space<vmem>>, vector<16xf32>,
    %get3A_102 = arith.constant 0 : i32
    %get3A_103 = arith.index_cast %get3A_102 : i32 to index
    %get3A_104 = arith.constant 32 : index
    %get3A_105 = tpu.vector_load %arg8[%get3A_103, %get3A_104] {strides = array<i32>} : memref<1x128xf32, #tpu.memory_space<vmem>>, vector<16xf32>,
    %get3A_106 = arith.constant 0 : i32
    %get3A_107 = arith.index_cast %get3A_106 : i32 to index
    %get3A_108 = arith.constant 48 : index
    %get3A_109 = tpu.vector_load %arg8[%get3A_107, %get3A_108] {strides = array<i32>} : memref<1x128xf32, #tpu.memory_space<vmem>>, vector<16xf32>,
    %scan3A = arith.constant 0 : i32
    %scan3A_110 = arith.constant 0 : i32
    %scan3A_111 = arith.constant 32 : i32
    %scan3A_112 = arith.addi %scan3A_110, %scan3A_111 : i32
    %scan3A_113 = arith.constant 1 : i32
    scf.for %scan3A_118 = %scan3A_110 to %scan3A_112 step %scan3A_113  : i32 {
      %mul3A_119 = arith.constant 4 : i32
      %mul3A_120 = arith.muli %scan3A_118, %mul3A_119 : i32
      %add3A_121 = arith.constant 0 : i32
      %add3A_122 = arith.addi %mul3A_120, %add3A_121 : i32
      %broadcast_in_dim3A = vector.broadcast %add3A_122 : i32 to vector<16xi32>
      %gather3A = tpu.vector_load_idx %arg6[%broadcast_in_dim3A] : memref<128xi32, #tpu.memory_space<vmem>>[vector<16xi32>], vector<16xi32>,
      %shift_right_arithmetic3A = arith.constant 0 : i32
      %shift_right_arithmetic3A_123 = vector.broadcast %shift_right_arithmetic3A : i32 to vector<16xi32>
      %shift_right_arithmetic3A_124 = arith.shrsi %gather3A, %shift_right_arithmetic3A_123 : vector<16xi32>
      %and3A = arith.constant 255 : i32
      %and3A_125 = vector.broadcast %and3A : i32 to vector<16xi32>
      %and3A_126 = arith.andi %shift_right_arithmetic3A_124, %and3A_125 : vector<16xi32>
      %ne3A = arith.constant 0 : i32
      %ne3A_127 = vector.broadcast %ne3A : i32 to vector<16xi32>
      %ne3A_128 = arith.cmpi ne, %and3A_126, %ne3A_127 : vector<16xi32>
      %mul3A_129 = arith.constant 16 : i32
      %mul3A_130 = arith.muli %scan3A_118, %mul3A_129 : i32
      %add3A_131 = arith.constant 0 : i32
      %add3A_132 = arith.addi %mul3A_130, %add3A_131 : i32
      %get3A_133 = arith.index_cast %add3A_132 : i32 to index
      %get3A_134 = arith.constant 0 : index
      %get3A_135 = tpu.vector_load %arg9[%get3A_133, %get3A_134] {strides = array<i32>} : memref<512x128xf32, #tpu.memory_space<vmem>>, vector<16xf32>,
      %select_n3A = arith.select %ne3A_128, %get3A_97, %get3A_135 : vector<16xi1>, vector<16xf32>
      %mul3A_136 = arith.constant 64 : i32
      %mul3A_137 = arith.muli %add3A_132, %mul3A_136 : i32
      %add3A_138 = arith.constant 0 : i32
      %add3A_139 = arith.addi %mul3A_137, %add3A_138 : i32
      %swap3A = arith.index_cast %add3A_139 : i32 to index
      %swap3A_140 = tpu.vector_load %arg10[%swap3A] {strides = array<i32>} : memref<32768xf32, #tpu.memory_space<vmem>>, vector<16xf32>,
      tpu.vector_store %arg10[%swap3A], %select_n3A {strides = array<i32>} : memref<32768xf32, #tpu.memory_space<vmem>>, vector<16xf32>,
      %get3A_141 = arith.index_cast %add3A_132 : i32 to index
      %get3A_142 = arith.constant 16 : index
      %get3A_143 = tpu.vector_load %arg9[%get3A_141, %get3A_142] {strides = array<i32>} : memref<512x128xf32, #tpu.memory_space<vmem>>, vector<16xf32>,
      %select_n3A_144 = arith.select %ne3A_128, %get3A_101, %get3A_143 : vector<16xi1>, vector<16xf32>
      %mul3A_145 = arith.constant 64 : i32
      %mul3A_146 = arith.muli %add3A_132, %mul3A_145 : i32
      %add3A_147 = arith.constant 16 : i32
      %add3A_148 = arith.addi %mul3A_146, %add3A_147 : i32
      %swap3A_149 = arith.index_cast %add3A_148 : i32 to index
      %swap3A_150 = tpu.vector_load %arg10[%swap3A_149] {strides = array<i32>} : memref<32768xf32, #tpu.memory_space<vmem>>, vector<16xf32>,
      tpu.vector_store %arg10[%swap3A_149], %select_n3A_144 {strides = array<i32>} : memref<32768xf32, #tpu.memory_space<vmem>>, vector<16xf32>,
      %get3A_151 = arith.index_cast %add3A_132 : i32 to index
      %get3A_152 = arith.constant 32 : index
      %get3A_153 = tpu.vector_load %arg9[%get3A_151, %get3A_152] {strides = array<i32>} : memref<512x128xf32, #tpu.memory_space<vmem>>, vector<16xf32>,
      %select_n3A_154 = arith.select %ne3A_128, %get3A_105, %get3A_153 : vector<16xi1>, vector<16xf32>
      %mul3A_155 = arith.constant 64 : i32
      %mul3A_156 = arith.muli %add3A_132, %mul3A_155 : i32
      %add3A_157 = arith.constant 32 : i32
      %add3A_158 = arith.addi %mul3A_156, %add3A_157 : i32
      %swap3A_159 = arith.index_cast %add3A_158 : i32 to index
      %swap3A_160 = tpu.vector_load %arg10[%swap3A_159] {strides = array<i32>} : memref<32768xf32, #tpu.memory_space<vmem>>, vector<16xf32>,
      tpu.vector_store %arg10[%swap3A_159], %select_n3A_154 {strides = array<i32>} : memref<32768xf32, #tpu.memory_space<vmem>>, vector<16xf32>,
      %get3A_161 = arith.index_cast %add3A_132 : i32 to index
      %get3A_162 = arith.constant 48 : index
      %get3A_163 = tpu.vector_load %arg9[%get3A_161, %get3A_162] {strides = array<i32>} : memref<512x128xf32, #tpu.memory_space<vmem>>, vector<16xf32>,
      %select_n3A_164 = arith.select %ne3A_128, %get3A_109, %get3A_163 : vector<16xi1>, vector<16xf32>
      %mul3A_165 = arith.constant 64 : i32
      %mul3A_166 = arith.muli %add3A_132, %mul3A_165 : i32
      %add3A_167 = arith.constant 48 : i32
      %add3A_168 = arith.addi %mul3A_166, %add3A_167 : i32
      %swap3A_169 = arith.index_cast %add3A_168 : i32 to index
      %swap3A_170 = tpu.vector_load %arg10[%swap3A_169] {strides = array<i32>} : memref<32768xf32, #tpu.memory_space<vmem>>, vector<16xf32>,
      tpu.vector_store %arg10[%swap3A_169], %select_n3A_164 {strides = array<i32>} : memref<32768xf32, #tpu.memory_space<vmem>>, vector<16xf32>,
      %mul3A_171 = arith.constant 4 : i32
      %mul3A_172 = arith.muli %scan3A_118, %mul3A_171 : i32
      %add3A_173 = arith.constant 0 : i32
      %add3A_174 = arith.addi %mul3A_172, %add3A_173 : i32
      %broadcast_in_dim3A_175 = vector.broadcast %add3A_174 : i32 to vector<16xi32>
      %gather3A_176 = tpu.vector_load_idx %arg6[%broadcast_in_dim3A_175] : memref<128xi32, #tpu.memory_space<vmem>>[vector<16xi32>], vector<16xi32>,
      %shift_right_arithmetic3A_177 = arith.constant 8 : i32
      %shift_right_arithmetic3A_178 = vector.broadcast %shift_right_arithmetic3A_177 : i32 to vector<16xi32>
      %shift_right_arithmetic3A_179 = arith.shrsi %gather3A_176, %shift_right_arithmetic3A_178 : vector<16xi32>
      %and3A_180 = arith.constant 255 : i32
      %and3A_181 = vector.broadcast %and3A_180 : i32 to vector<16xi32>
      %and3A_182 = arith.andi %shift_right_arithmetic3A_179, %and3A_181 : vector<16xi32>
      %ne3A_183 = arith.constant 0 : i32
      %ne3A_184 = vector.broadcast %ne3A_183 : i32 to vector<16xi32>
      %ne3A_185 = arith.cmpi ne, %and3A_182, %ne3A_184 : vector<16xi32>
      %mul3A_186 = arith.constant 16 : i32
      %mul3A_187 = arith.muli %scan3A_118, %mul3A_186 : i32
      %add3A_188 = arith.constant 1 : i32
      %add3A_189 = arith.addi %mul3A_187, %add3A_188 : i32
      %get3A_190 = arith.index_cast %add3A_189 : i32 to index
      %get3A_191 = arith.constant 0 : index
      %get3A_192 = tpu.vector_load %arg9[%get3A_190, %get3A_191] {strides = array<i32>} : memref<512x128xf32, #tpu.memory_space<vmem>>, vector<16xf32>,
      %select_n3A_193 = arith.select %ne3A_185, %get3A_97, %get3A_192 : vector<16xi1>, vector<16xf32>
      %mul3A_194 = arith.constant 64 : i32
      %mul3A_195 = arith.muli %add3A_189, %mul3A_194 : i32
      %add3A_196 = arith.constant 0 : i32
      %add3A_197 = arith.addi %mul3A_195, %add3A_196 : i32
      %swap3A_198 = arith.index_cast %add3A_197 : i32 to index
      %swap3A_199 = tpu.vector_load %arg10[%swap3A_198] {strides = array<i32>} : memref<32768xf32, #tpu.memory_space<vmem>>, vector<16xf32>,
      tpu.vector_store %arg10[%swap3A_198], %select_n3A_193 {strides = array<i32>} : memref<32768xf32, #tpu.memory_space<vmem>>, vector<16xf32>,
      %get3A_200 = arith.index_cast %add3A_189 : i32 to index
      %get3A_201 = arith.constant 16 : index
      %get3A_202 = tpu.vector_load %arg9[%get3A_200, %get3A_201] {strides = array<i32>} : memref<512x128xf32, #tpu.memory_space<vmem>>, vector<16xf32>,
      %select_n3A_203 = arith.select %ne3A_185, %get3A_101, %get3A_202 : vector<16xi1>, vector<16xf32>
      %mul3A_204 = arith.constant 64 : i32
      %mul3A_205 = arith.muli %add3A_189, %mul3A_204 : i32
      %add3A_206 = arith.constant 16 : i32
      %add3A_207 = arith.addi %mul3A_205, %add3A_206 : i32
      %swap3A_208 = arith.index_cast %add3A_207 : i32 to index
      %swap3A_209 = tpu.vector_load %arg10[%swap3A_208] {strides = array<i32>} : memref<32768xf32, #tpu.memory_space<vmem>>, vector<16xf32>,
      tpu.vector_store %arg10[%swap3A_208], %select_n3A_203 {strides = array<i32>} : memref<32768xf32, #tpu.memory_space<vmem>>, vector<16xf32>,
      %get3A_210 = arith.index_cast %add3A_189 : i32 to index
      %get3A_211 = arith.constant 32 : index
      %get3A_212 = tpu.vector_load %arg9[%get3A_210, %get3A_211] {strides = array<i32>} : memref<512x128xf32, #tpu.memory_space<vmem>>, vector<16xf32>,
      %select_n3A_213 = arith.select %ne3A_185, %get3A_105, %get3A_212 : vector<16xi1>, vector<16xf32>
      %mul3A_214 = arith.constant 64 : i32
      %mul3A_215 = arith.muli %add3A_189, %mul3A_214 : i32
      %add3A_216 = arith.constant 32 : i32
      %add3A_217 = arith.addi %mul3A_215, %add3A_216 : i32
      %swap3A_218 = arith.index_cast %add3A_217 : i32 to index
      %swap3A_219 = tpu.vector_load %arg10[%swap3A_218] {strides = array<i32>} : memref<32768xf32, #tpu.memory_space<vmem>>, vector<16xf32>,
      tpu.vector_store %arg10[%swap3A_218], %select_n3A_213 {strides = array<i32>} : memref<32768xf32, #tpu.memory_space<vmem>>, vector<16xf32>,
      %get3A_220 = arith.index_cast %add3A_189 : i32 to index
      %get3A_221 = arith.constant 48 : index
      %get3A_222 = tpu.vector_load %arg9[%get3A_220, %get3A_221] {strides = array<i32>} : memref<512x128xf32, #tpu.memory_space<vmem>>, vector<16xf32>,
      %select_n3A_223 = arith.select %ne3A_185, %get3A_109, %get3A_222 : vector<16xi1>, vector<16xf32>
      %mul3A_224 = arith.constant 64 : i32
      %mul3A_225 = arith.muli %add3A_189, %mul3A_224 : i32
      %add3A_226 = arith.constant 48 : i32
      %add3A_227 = arith.addi %mul3A_225, %add3A_226 : i32
      %swap3A_228 = arith.index_cast %add3A_227 : i32 to index
      %swap3A_229 = tpu.vector_load %arg10[%swap3A_228] {strides = array<i32>} : memref<32768xf32, #tpu.memory_space<vmem>>, vector<16xf32>,
      tpu.vector_store %arg10[%swap3A_228], %select_n3A_223 {strides = array<i32>} : memref<32768xf32, #tpu.memory_space<vmem>>, vector<16xf32>,
      %mul3A_230 = arith.constant 4 : i32
      %mul3A_231 = arith.muli %scan3A_118, %mul3A_230 : i32
      %add3A_232 = arith.constant 0 : i32
      %add3A_233 = arith.addi %mul3A_231, %add3A_232 : i32
      %broadcast_in_dim3A_234 = vector.broadcast %add3A_233 : i32 to vector<16xi32>
      %gather3A_235 = tpu.vector_load_idx %arg6[%broadcast_in_dim3A_234] : memref<128xi32, #tpu.memory_space<vmem>>[vector<16xi32>], vector<16xi32>,
      %shift_right_arithmetic3A_236 = arith.constant 16 : i32
      %shift_right_arithmetic3A_237 = vector.broadcast %shift_right_arithmetic3A_236 : i32 to vector<16xi32>
      %shift_right_arithmetic3A_238 = arith.shrsi %gather3A_235, %shift_right_arithmetic3A_237 : vector<16xi32>
      %and3A_239 = arith.constant 255 : i32
      %and3A_240 = vector.broadcast %and3A_239 : i32 to vector<16xi32>
      %and3A_241 = arith.andi %shift_right_arithmetic3A_238, %and3A_240 : vector<16xi32>
      %ne3A_242 = arith.constant 0 : i32
      %ne3A_243 = vector.broadcast %ne3A_242 : i32 to vector<16xi32>
      %ne3A_244 = arith.cmpi ne, %and3A_241, %ne3A_243 : vector<16xi32>
      %mul3A_245 = arith.constant 16 : i32
      %mul3A_246 = arith.muli %scan3A_118, %mul3A_245 : i32
      %add3A_247 = arith.constant 2 : i32
      %add3A_248 = arith.addi %mul3A_246, %add3A_247 : i32
      %get3A_249 = arith.index_cast %add3A_248 : i32 to index
      %get3A_250 = arith.constant 0 : index
      %get3A_251 = tpu.vector_load %arg9[%get3A_249, %get3A_250] {strides = array<i32>} : memref<512x128xf32, #tpu.memory_space<vmem>>, vector<16xf32>,
      %select_n3A_252 = arith.select %ne3A_244, %get3A_97, %get3A_251 : vector<16xi1>, vector<16xf32>
      %mul3A_253 = arith.constant 64 : i32
      %mul3A_254 = arith.muli %add3A_248, %mul3A_253 : i32
      %add3A_255 = arith.constant 0 : i32
      %add3A_256 = arith.addi %mul3A_254, %add3A_255 : i32
      %swap3A_257 = arith.index_cast %add3A_256 : i32 to index
      %swap3A_258 = tpu.vector_load %arg10[%swap3A_257] {strides = array<i32>} : memref<32768xf32, #tpu.memory_space<vmem>>, vector<16xf32>,
      tpu.vector_store %arg10[%swap3A_257], %select_n3A_252 {strides = array<i32>} : memref<32768xf32, #tpu.memory_space<vmem>>, vector<16xf32>,
      %get3A_259 = arith.index_cast %add3A_248 : i32 to index
      %get3A_260 = arith.constant 16 : index
      %get3A_261 = tpu.vector_load %arg9[%get3A_259, %get3A_260] {strides = array<i32>} : memref<512x128xf32, #tpu.memory_space<vmem>>, vector<16xf32>,
      %select_n3A_262 = arith.select %ne3A_244, %get3A_101, %get3A_261 : vector<16xi1>, vector<16xf32>
      %mul3A_263 = arith.constant 64 : i32
      %mul3A_264 = arith.muli %add3A_248, %mul3A_263 : i32
      %add3A_265 = arith.constant 16 : i32
      %add3A_266 = arith.addi %mul3A_264, %add3A_265 : i32
      %swap3A_267 = arith.index_cast %add3A_266 : i32 to index
      %swap3A_268 = tpu.vector_load %arg10[%swap3A_267] {strides = array<i32>} : memref<32768xf32, #tpu.memory_space<vmem>>, vector<16xf32>,
      tpu.vector_store %arg10[%swap3A_267], %select_n3A_262 {strides = array<i32>} : memref<32768xf32, #tpu.memory_space<vmem>>, vector<16xf32>,
      %get3A_269 = arith.index_cast %add3A_248 : i32 to index
      %get3A_270 = arith.constant 32 : index
      %get3A_271 = tpu.vector_load %arg9[%get3A_269, %get3A_270] {strides = array<i32>} : memref<512x128xf32, #tpu.memory_space<vmem>>, vector<16xf32>,
      %select_n3A_272 = arith.select %ne3A_244, %get3A_105, %get3A_271 : vector<16xi1>, vector<16xf32>
      %mul3A_273 = arith.constant 64 : i32
      %mul3A_274 = arith.muli %add3A_248, %mul3A_273 : i32
      %add3A_275 = arith.constant 32 : i32
      %add3A_276 = arith.addi %mul3A_274, %add3A_275 : i32
      %swap3A_277 = arith.index_cast %add3A_276 : i32 to index
      %swap3A_278 = tpu.vector_load %arg10[%swap3A_277] {strides = array<i32>} : memref<32768xf32, #tpu.memory_space<vmem>>, vector<16xf32>,
      tpu.vector_store %arg10[%swap3A_277], %select_n3A_272 {strides = array<i32>} : memref<32768xf32, #tpu.memory_space<vmem>>, vector<16xf32>,
      %get3A_279 = arith.index_cast %add3A_248 : i32 to index
      %get3A_280 = arith.constant 48 : index
      %get3A_281 = tpu.vector_load %arg9[%get3A_279, %get3A_280] {strides = array<i32>} : memref<512x128xf32, #tpu.memory_space<vmem>>, vector<16xf32>,
      %select_n3A_282 = arith.select %ne3A_244, %get3A_109, %get3A_281 : vector<16xi1>, vector<16xf32>
      %mul3A_283 = arith.constant 64 : i32
      %mul3A_284 = arith.muli %add3A_248, %mul3A_283 : i32
      %add3A_285 = arith.constant 48 : i32
      %add3A_286 = arith.addi %mul3A_284, %add3A_285 : i32
      %swap3A_287 = arith.index_cast %add3A_286 : i32 to index
      %swap3A_288 = tpu.vector_load %arg10[%swap3A_287] {strides = array<i32>} : memref<32768xf32, #tpu.memory_space<vmem>>, vector<16xf32>,
      tpu.vector_store %arg10[%swap3A_287], %select_n3A_282 {strides = array<i32>} : memref<32768xf32, #tpu.memory_space<vmem>>, vector<16xf32>,
      %mul3A_289 = arith.constant 4 : i32
      %mul3A_290 = arith.muli %scan3A_118, %mul3A_289 : i32
      %add3A_291 = arith.constant 0 : i32
      %add3A_292 = arith.addi %mul3A_290, %add3A_291 : i32
      %broadcast_in_dim3A_293 = vector.broadcast %add3A_292 : i32 to vector<16xi32>
      %gather3A_294 = tpu.vector_load_idx %arg6[%broadcast_in_dim3A_293] : memref<128xi32, #tpu.memory_space<vmem>>[vector<16xi32>], vector<16xi32>,
      %shift_right_arithmetic3A_295 = arith.constant 24 : i32
      %shift_right_arithmetic3A_296 = vector.broadcast %shift_right_arithmetic3A_295 : i32 to vector<16xi32>
      %shift_right_arithmetic3A_297 = arith.shrsi %gather3A_294, %shift_right_arithmetic3A_296 : vector<16xi32>
      %and3A_298 = arith.constant 255 : i32
      %and3A_299 = vector.broadcast %and3A_298 : i32 to vector<16xi32>
      %and3A_300 = arith.andi %shift_right_arithmetic3A_297, %and3A_299 : vector<16xi32>
      %ne3A_301 = arith.constant 0 : i32
      %ne3A_302 = vector.broadcast %ne3A_301 : i32 to vector<16xi32>
      %ne3A_303 = arith.cmpi ne, %and3A_300, %ne3A_302 : vector<16xi32>
      %mul3A_304 = arith.constant 16 : i32
      %mul3A_305 = arith.muli %scan3A_118, %mul3A_304 : i32
      %add3A_306 = arith.constant 3 : i32
      %add3A_307 = arith.addi %mul3A_305, %add3A_306 : i32
      %get3A_308 = arith.index_cast %add3A_307 : i32 to index
      %get3A_309 = arith.constant 0 : index
      %get3A_310 = tpu.vector_load %arg9[%get3A_308, %get3A_309] {strides = array<i32>} : memref<512x128xf32, #tpu.memory_space<vmem>>, vector<16xf32>,
      %select_n3A_311 = arith.select %ne3A_303, %get3A_97, %get3A_310 : vector<16xi1>, vector<16xf32>
      %mul3A_312 = arith.constant 64 : i32
      %mul3A_313 = arith.muli %add3A_307, %mul3A_312 : i32
      %add3A_314 = arith.constant 0 : i32
      %add3A_315 = arith.addi %mul3A_313, %add3A_314 : i32
      %swap3A_316 = arith.index_cast %add3A_315 : i32 to index
      %swap3A_317 = tpu.vector_load %arg10[%swap3A_316] {strides = array<i32>} : memref<32768xf32, #tpu.memory_space<vmem>>, vector<16xf32>,
      tpu.vector_store %arg10[%swap3A_316], %select_n3A_311 {strides = array<i32>} : memref<32768xf32, #tpu.memory_space<vmem>>, vector<16xf32>,
      %get3A_318 = arith.index_cast %add3A_307 : i32 to index
      %get3A_319 = arith.constant 16 : index
      %get3A_320 = tpu.vector_load %arg9[%get3A_318, %get3A_319] {strides = array<i32>} : memref<512x128xf32, #tpu.memory_space<vmem>>, vector<16xf32>,
      %select_n3A_321 = arith.select %ne3A_303, %get3A_101, %get3A_320 : vector<16xi1>, vector<16xf32>
      %mul3A_322 = arith.constant 64 : i32
      %mul3A_323 = arith.muli %add3A_307, %mul3A_322 : i32
      %add3A_324 = arith.constant 16 : i32
      %add3A_325 = arith.addi %mul3A_323, %add3A_324 : i32
      %swap3A_326 = arith.index_cast %add3A_325 : i32 to index
      %swap3A_327 = tpu.vector_load %arg10[%swap3A_326] {strides = array<i32>} : memref<32768xf32, #tpu.memory_space<vmem>>, vector<16xf32>,
      tpu.vector_store %arg10[%swap3A_326], %select_n3A_321 {strides = array<i32>} : memref<32768xf32, #tpu.memory_space<vmem>>, vector<16xf32>,
      %get3A_328 = arith.index_cast %add3A_307 : i32 to index
      %get3A_329 = arith.constant 32 : index
      %get3A_330 = tpu.vector_load %arg9[%get3A_328, %get3A_329] {strides = array<i32>} : memref<512x128xf32, #tpu.memory_space<vmem>>, vector<16xf32>,
      %select_n3A_331 = arith.select %ne3A_303, %get3A_105, %get3A_330 : vector<16xi1>, vector<16xf32>
      %mul3A_332 = arith.constant 64 : i32
      %mul3A_333 = arith.muli %add3A_307, %mul3A_332 : i32
      %add3A_334 = arith.constant 32 : i32
      %add3A_335 = arith.addi %mul3A_333, %add3A_334 : i32
      %swap3A_336 = arith.index_cast %add3A_335 : i32 to index
      %swap3A_337 = tpu.vector_load %arg10[%swap3A_336] {strides = array<i32>} : memref<32768xf32, #tpu.memory_space<vmem>>, vector<16xf32>,
      tpu.vector_store %arg10[%swap3A_336], %select_n3A_331 {strides = array<i32>} : memref<32768xf32, #tpu.memory_space<vmem>>, vector<16xf32>,
      %get3A_338 = arith.index_cast %add3A_307 : i32 to index
      %get3A_339 = arith.constant 48 : index
      %get3A_340 = tpu.vector_load %arg9[%get3A_338, %get3A_339] {strides = array<i32>} : memref<512x128xf32, #tpu.memory_space<vmem>>, vector<16xf32>,
      %select_n3A_341 = arith.select %ne3A_303, %get3A_109, %get3A_340 : vector<16xi1>, vector<16xf32>
      %mul3A_342 = arith.constant 64 : i32
      %mul3A_343 = arith.muli %add3A_307, %mul3A_342 : i32
      %add3A_344 = arith.constant 48 : i32
      %add3A_345 = arith.addi %mul3A_343, %add3A_344 : i32
      %swap3A_346 = arith.index_cast %add3A_345 : i32 to index
      %swap3A_347 = tpu.vector_load %arg10[%swap3A_346] {strides = array<i32>} : memref<32768xf32, #tpu.memory_space<vmem>>, vector<16xf32>,
      tpu.vector_store %arg10[%swap3A_346], %select_n3A_341 {strides = array<i32>} : memref<32768xf32, #tpu.memory_space<vmem>>, vector<16xf32>,
      %mul3A_348 = arith.constant 4 : i32
      %mul3A_349 = arith.muli %scan3A_118, %mul3A_348 : i32
      %add3A_350 = arith.constant 1 : i32
      %add3A_351 = arith.addi %mul3A_349, %add3A_350 : i32
      %broadcast_in_dim3A_352 = vector.broadcast %add3A_351 : i32 to vector<16xi32>
      %gather3A_353 = tpu.vector_load_idx %arg6[%broadcast_in_dim3A_352] : memref<128xi32, #tpu.memory_space<vmem>>[vector<16xi32>], vector<16xi32>,
      %shift_right_arithmetic3A_354 = arith.constant 0 : i32
      %shift_right_arithmetic3A_355 = vector.broadcast %shift_right_arithmetic3A_354 : i32 to vector<16xi32>
      %shift_right_arithmetic3A_356 = arith.shrsi %gather3A_353, %shift_right_arithmetic3A_355 : vector<16xi32>
      %and3A_357 = arith.constant 255 : i32
      %and3A_358 = vector.broadcast %and3A_357 : i32 to vector<16xi32>
      %and3A_359 = arith.andi %shift_right_arithmetic3A_356, %and3A_358 : vector<16xi32>
      %ne3A_360 = arith.constant 0 : i32
      %ne3A_361 = vector.broadcast %ne3A_360 : i32 to vector<16xi32>
      %ne3A_362 = arith.cmpi ne, %and3A_359, %ne3A_361 : vector<16xi32>
      %mul3A_363 = arith.constant 16 : i32
      %mul3A_364 = arith.muli %scan3A_118, %mul3A_363 : i32
      %add3A_365 = arith.constant 4 : i32
      %add3A_366 = arith.addi %mul3A_364, %add3A_365 : i32
      %get3A_367 = arith.index_cast %add3A_366 : i32 to index
      %get3A_368 = arith.constant 0 : index
      %get3A_369 = tpu.vector_load %arg9[%get3A_367, %get3A_368] {strides = array<i32>} : memref<512x128xf32, #tpu.memory_space<vmem>>, vector<16xf32>,
      %select_n3A_370 = arith.select %ne3A_362, %get3A_97, %get3A_369 : vector<16xi1>, vector<16xf32>
      %mul3A_371 = arith.constant 64 : i32
      %mul3A_372 = arith.muli %add3A_366, %mul3A_371 : i32
      %add3A_373 = arith.constant 0 : i32
      %add3A_374 = arith.addi %mul3A_372, %add3A_373 : i32
      %swap3A_375 = arith.index_cast %add3A_374 : i32 to index
      %swap3A_376 = tpu.vector_load %arg10[%swap3A_375] {strides = array<i32>} : memref<32768xf32, #tpu.memory_space<vmem>>, vector<16xf32>,
      tpu.vector_store %arg10[%swap3A_375], %select_n3A_370 {strides = array<i32>} : memref<32768xf32, #tpu.memory_space<vmem>>, vector<16xf32>,
      %get3A_377 = arith.index_cast %add3A_366 : i32 to index
      %get3A_378 = arith.constant 16 : index
      %get3A_379 = tpu.vector_load %arg9[%get3A_377, %get3A_378] {strides = array<i32>} : memref<512x128xf32, #tpu.memory_space<vmem>>, vector<16xf32>,
      %select_n3A_380 = arith.select %ne3A_362, %get3A_101, %get3A_379 : vector<16xi1>, vector<16xf32>
      %mul3A_381 = arith.constant 64 : i32
      %mul3A_382 = arith.muli %add3A_366, %mul3A_381 : i32
      %add3A_383 = arith.constant 16 : i32
      %add3A_384 = arith.addi %mul3A_382, %add3A_383 : i32
      %swap3A_385 = arith.index_cast %add3A_384 : i32 to index
      %swap3A_386 = tpu.vector_load %arg10[%swap3A_385] {strides = array<i32>} : memref<32768xf32, #tpu.memory_space<vmem>>, vector<16xf32>,
      tpu.vector_store %arg10[%swap3A_385], %select_n3A_380 {strides = array<i32>} : memref<32768xf32, #tpu.memory_space<vmem>>, vector<16xf32>,
      %get3A_387 = arith.index_cast %add3A_366 : i32 to index
      %get3A_388 = arith.constant 32 : index
      %get3A_389 = tpu.vector_load %arg9[%get3A_387, %get3A_388] {strides = array<i32>} : memref<512x128xf32, #tpu.memory_space<vmem>>, vector<16xf32>,
      %select_n3A_390 = arith.select %ne3A_362, %get3A_105, %get3A_389 : vector<16xi1>, vector<16xf32>
      %mul3A_391 = arith.constant 64 : i32
      %mul3A_392 = arith.muli %add3A_366, %mul3A_391 : i32
      %add3A_393 = arith.constant 32 : i32
      %add3A_394 = arith.addi %mul3A_392, %add3A_393 : i32
      %swap3A_395 = arith.index_cast %add3A_394 : i32 to index
      %swap3A_396 = tpu.vector_load %arg10[%swap3A_395] {strides = array<i32>} : memref<32768xf32, #tpu.memory_space<vmem>>, vector<16xf32>,
      tpu.vector_store %arg10[%swap3A_395], %select_n3A_390 {strides = array<i32>} : memref<32768xf32, #tpu.memory_space<vmem>>, vector<16xf32>,
      %get3A_397 = arith.index_cast %add3A_366 : i32 to index
      %get3A_398 = arith.constant 48 : index
      %get3A_399 = tpu.vector_load %arg9[%get3A_397, %get3A_398] {strides = array<i32>} : memref<512x128xf32, #tpu.memory_space<vmem>>, vector<16xf32>,
      %select_n3A_400 = arith.select %ne3A_362, %get3A_109, %get3A_399 : vector<16xi1>, vector<16xf32>
      %mul3A_401 = arith.constant 64 : i32
      %mul3A_402 = arith.muli %add3A_366, %mul3A_401 : i32
      %add3A_403 = arith.constant 48 : i32
      %add3A_404 = arith.addi %mul3A_402, %add3A_403 : i32
      %swap3A_405 = arith.index_cast %add3A_404 : i32 to index
      %swap3A_406 = tpu.vector_load %arg10[%swap3A_405] {strides = array<i32>} : memref<32768xf32, #tpu.memory_space<vmem>>, vector<16xf32>,
      tpu.vector_store %arg10[%swap3A_405], %select_n3A_400 {strides = array<i32>} : memref<32768xf32, #tpu.memory_space<vmem>>, vector<16xf32>,
      %mul3A_407 = arith.constant 4 : i32
      %mul3A_408 = arith.muli %scan3A_118, %mul3A_407 : i32
      %add3A_409 = arith.constant 1 : i32
      %add3A_410 = arith.addi %mul3A_408, %add3A_409 : i32
      %broadcast_in_dim3A_411 = vector.broadcast %add3A_410 : i32 to vector<16xi32>
      %gather3A_412 = tpu.vector_load_idx %arg6[%broadcast_in_dim3A_411] : memref<128xi32, #tpu.memory_space<vmem>>[vector<16xi32>], vector<16xi32>,
      %shift_right_arithmetic3A_413 = arith.constant 8 : i32
      %shift_right_arithmetic3A_414 = vector.broadcast %shift_right_arithmetic3A_413 : i32 to vector<16xi32>
      %shift_right_arithmetic3A_415 = arith.shrsi %gather3A_412, %shift_right_arithmetic3A_414 : vector<16xi32>
      %and3A_416 = arith.constant 255 : i32
      %and3A_417 = vector.broadcast %and3A_416 : i32 to vector<16xi32>
      %and3A_418 = arith.andi %shift_right_arithmetic3A_415, %and3A_417 : vector<16xi32>
      %ne3A_419 = arith.constant 0 : i32
      %ne3A_420 = vector.broadcast %ne3A_419 : i32 to vector<16xi32>
      %ne3A_421 = arith.cmpi ne, %and3A_418, %ne3A_420 : vector<16xi32>
      %mul3A_422 = arith.constant 16 : i32
      %mul3A_423 = arith.muli %scan3A_118, %mul3A_422 : i32
      %add3A_424 = arith.constant 5 : i32
      %add3A_425 = arith.addi %mul3A_423, %add3A_424 : i32
      %get3A_426 = arith.index_cast %add3A_425 : i32 to index
      %get3A_427 = arith.constant 0 : index
      %get3A_428 = tpu.vector_load %arg9[%get3A_426, %get3A_427] {strides = array<i32>} : memref<512x128xf32, #tpu.memory_space<vmem>>, vector<16xf32>,
      %select_n3A_429 = arith.select %ne3A_421, %get3A_97, %get3A_428 : vector<16xi1>, vector<16xf32>
      %mul3A_430 = arith.constant 64 : i32
      %mul3A_431 = arith.muli %add3A_425, %mul3A_430 : i32
      %add3A_432 = arith.constant 0 : i32
      %add3A_433 = arith.addi %mul3A_431, %add3A_432 : i32
      %swap3A_434 = arith.index_cast %add3A_433 : i32 to index
      %swap3A_435 = tpu.vector_load %arg10[%swap3A_434] {strides = array<i32>} : memref<32768xf32, #tpu.memory_space<vmem>>, vector<16xf32>,
      tpu.vector_store %arg10[%swap3A_434], %select_n3A_429 {strides = array<i32>} : memref<32768xf32, #tpu.memory_space<vmem>>, vector<16xf32>,
      %get3A_436 = arith.index_cast %add3A_425 : i32 to index
      %get3A_437 = arith.constant 16 : index
      %get3A_438 = tpu.vector_load %arg9[%get3A_436, %get3A_437] {strides = array<i32>} : memref<512x128xf32, #tpu.memory_space<vmem>>, vector<16xf32>,
      %select_n3A_439 = arith.select %ne3A_421, %get3A_101, %get3A_438 : vector<16xi1>, vector<16xf32>
      %mul3A_440 = arith.constant 64 : i32
      %mul3A_441 = arith.muli %add3A_425, %mul3A_440 : i32
      %add3A_442 = arith.constant 16 : i32
      %add3A_443 = arith.addi %mul3A_441, %add3A_442 : i32
      %swap3A_444 = arith.index_cast %add3A_443 : i32 to index
      %swap3A_445 = tpu.vector_load %arg10[%swap3A_444] {strides = array<i32>} : memref<32768xf32, #tpu.memory_space<vmem>>, vector<16xf32>,
      tpu.vector_store %arg10[%swap3A_444], %select_n3A_439 {strides = array<i32>} : memref<32768xf32, #tpu.memory_space<vmem>>, vector<16xf32>,
      %get3A_446 = arith.index_cast %add3A_425 : i32 to index
      %get3A_447 = arith.constant 32 : index
      %get3A_448 = tpu.vector_load %arg9[%get3A_446, %get3A_447] {strides = array<i32>} : memref<512x128xf32, #tpu.memory_space<vmem>>, vector<16xf32>,
      %select_n3A_449 = arith.select %ne3A_421, %get3A_105, %get3A_448 : vector<16xi1>, vector<16xf32>
      %mul3A_450 = arith.constant 64 : i32
      %mul3A_451 = arith.muli %add3A_425, %mul3A_450 : i32
      %add3A_452 = arith.constant 32 : i32
      %add3A_453 = arith.addi %mul3A_451, %add3A_452 : i32
      %swap3A_454 = arith.index_cast %add3A_453 : i32 to index
      %swap3A_455 = tpu.vector_load %arg10[%swap3A_454] {strides = array<i32>} : memref<32768xf32, #tpu.memory_space<vmem>>, vector<16xf32>,
      tpu.vector_store %arg10[%swap3A_454], %select_n3A_449 {strides = array<i32>} : memref<32768xf32, #tpu.memory_space<vmem>>, vector<16xf32>,
      %get3A_456 = arith.index_cast %add3A_425 : i32 to index
      %get3A_457 = arith.constant 48 : index
      %get3A_458 = tpu.vector_load %arg9[%get3A_456, %get3A_457] {strides = array<i32>} : memref<512x128xf32, #tpu.memory_space<vmem>>, vector<16xf32>,
      %select_n3A_459 = arith.select %ne3A_421, %get3A_109, %get3A_458 : vector<16xi1>, vector<16xf32>
      %mul3A_460 = arith.constant 64 : i32
      %mul3A_461 = arith.muli %add3A_425, %mul3A_460 : i32
      %add3A_462 = arith.constant 48 : i32
      %add3A_463 = arith.addi %mul3A_461, %add3A_462 : i32
      %swap3A_464 = arith.index_cast %add3A_463 : i32 to index
      %swap3A_465 = tpu.vector_load %arg10[%swap3A_464] {strides = array<i32>} : memref<32768xf32, #tpu.memory_space<vmem>>, vector<16xf32>,
      tpu.vector_store %arg10[%swap3A_464], %select_n3A_459 {strides = array<i32>} : memref<32768xf32, #tpu.memory_space<vmem>>, vector<16xf32>,
      %mul3A_466 = arith.constant 4 : i32
      %mul3A_467 = arith.muli %scan3A_118, %mul3A_466 : i32
      %add3A_468 = arith.constant 1 : i32
      %add3A_469 = arith.addi %mul3A_467, %add3A_468 : i32
      %broadcast_in_dim3A_470 = vector.broadcast %add3A_469 : i32 to vector<16xi32>
      %gather3A_471 = tpu.vector_load_idx %arg6[%broadcast_in_dim3A_470] : memref<128xi32, #tpu.memory_space<vmem>>[vector<16xi32>], vector<16xi32>,
      %shift_right_arithmetic3A_472 = arith.constant 16 : i32
      %shift_right_arithmetic3A_473 = vector.broadcast %shift_right_arithmetic3A_472 : i32 to vector<16xi32>
      %shift_right_arithmetic3A_474 = arith.shrsi %gather3A_471, %shift_right_arithmetic3A_473 : vector<16xi32>
      %and3A_475 = arith.constant 255 : i32
      %and3A_476 = vector.broadcast %and3A_475 : i32 to vector<16xi32>
      %and3A_477 = arith.andi %shift_right_arithmetic3A_474, %and3A_476 : vector<16xi32>
      %ne3A_478 = arith.constant 0 : i32
      %ne3A_479 = vector.broadcast %ne3A_478 : i32 to vector<16xi32>
      %ne3A_480 = arith.cmpi ne, %and3A_477, %ne3A_479 : vector<16xi32>
      %mul3A_481 = arith.constant 16 : i32
      %mul3A_482 = arith.muli %scan3A_118, %mul3A_481 : i32
      %add3A_483 = arith.constant 6 : i32
      %add3A_484 = arith.addi %mul3A_482, %add3A_483 : i32
      %get3A_485 = arith.index_cast %add3A_484 : i32 to index
      %get3A_486 = arith.constant 0 : index
      %get3A_487 = tpu.vector_load %arg9[%get3A_485, %get3A_486] {strides = array<i32>} : memref<512x128xf32, #tpu.memory_space<vmem>>, vector<16xf32>,
      %select_n3A_488 = arith.select %ne3A_480, %get3A_97, %get3A_487 : vector<16xi1>, vector<16xf32>
      %mul3A_489 = arith.constant 64 : i32
      %mul3A_490 = arith.muli %add3A_484, %mul3A_489 : i32
      %add3A_491 = arith.constant 0 : i32
      %add3A_492 = arith.addi %mul3A_490, %add3A_491 : i32
      %swap3A_493 = arith.index_cast %add3A_492 : i32 to index
      %swap3A_494 = tpu.vector_load %arg10[%swap3A_493] {strides = array<i32>} : memref<32768xf32, #tpu.memory_space<vmem>>, vector<16xf32>,
      tpu.vector_store %arg10[%swap3A_493], %select_n3A_488 {strides = array<i32>} : memref<32768xf32, #tpu.memory_space<vmem>>, vector<16xf32>,
      %get3A_495 = arith.index_cast %add3A_484 : i32 to index
      %get3A_496 = arith.constant 16 : index
      %get3A_497 = tpu.vector_load %arg9[%get3A_495, %get3A_496] {strides = array<i32>} : memref<512x128xf32, #tpu.memory_space<vmem>>, vector<16xf32>,
      %select_n3A_498 = arith.select %ne3A_480, %get3A_101, %get3A_497 : vector<16xi1>, vector<16xf32>
      %mul3A_499 = arith.constant 64 : i32
      %mul3A_500 = arith.muli %add3A_484, %mul3A_499 : i32
      %add3A_501 = arith.constant 16 : i32
      %add3A_502 = arith.addi %mul3A_500, %add3A_501 : i32
      %swap3A_503 = arith.index_cast %add3A_502 : i32 to index
      %swap3A_504 = tpu.vector_load %arg10[%swap3A_503] {strides = array<i32>} : memref<32768xf32, #tpu.memory_space<vmem>>, vector<16xf32>,
      tpu.vector_store %arg10[%swap3A_503], %select_n3A_498 {strides = array<i32>} : memref<32768xf32, #tpu.memory_space<vmem>>, vector<16xf32>,
      %get3A_505 = arith.index_cast %add3A_484 : i32 to index
      %get3A_506 = arith.constant 32 : index
      %get3A_507 = tpu.vector_load %arg9[%get3A_505, %get3A_506] {strides = array<i32>} : memref<512x128xf32, #tpu.memory_space<vmem>>, vector<16xf32>,
      %select_n3A_508 = arith.select %ne3A_480, %get3A_105, %get3A_507 : vector<16xi1>, vector<16xf32>
      %mul3A_509 = arith.constant 64 : i32
      %mul3A_510 = arith.muli %add3A_484, %mul3A_509 : i32
      %add3A_511 = arith.constant 32 : i32
      %add3A_512 = arith.addi %mul3A_510, %add3A_511 : i32
      %swap3A_513 = arith.index_cast %add3A_512 : i32 to index
      %swap3A_514 = tpu.vector_load %arg10[%swap3A_513] {strides = array<i32>} : memref<32768xf32, #tpu.memory_space<vmem>>, vector<16xf32>,
      tpu.vector_store %arg10[%swap3A_513], %select_n3A_508 {strides = array<i32>} : memref<32768xf32, #tpu.memory_space<vmem>>, vector<16xf32>,
      %get3A_515 = arith.index_cast %add3A_484 : i32 to index
      %get3A_516 = arith.constant 48 : index
      %get3A_517 = tpu.vector_load %arg9[%get3A_515, %get3A_516] {strides = array<i32>} : memref<512x128xf32, #tpu.memory_space<vmem>>, vector<16xf32>,
      %select_n3A_518 = arith.select %ne3A_480, %get3A_109, %get3A_517 : vector<16xi1>, vector<16xf32>
      %mul3A_519 = arith.constant 64 : i32
      %mul3A_520 = arith.muli %add3A_484, %mul3A_519 : i32
      %add3A_521 = arith.constant 48 : i32
      %add3A_522 = arith.addi %mul3A_520, %add3A_521 : i32
      %swap3A_523 = arith.index_cast %add3A_522 : i32 to index
      %swap3A_524 = tpu.vector_load %arg10[%swap3A_523] {strides = array<i32>} : memref<32768xf32, #tpu.memory_space<vmem>>, vector<16xf32>,
      tpu.vector_store %arg10[%swap3A_523], %select_n3A_518 {strides = array<i32>} : memref<32768xf32, #tpu.memory_space<vmem>>, vector<16xf32>,
      %mul3A_525 = arith.constant 4 : i32
      %mul3A_526 = arith.muli %scan3A_118, %mul3A_525 : i32
      %add3A_527 = arith.constant 1 : i32
      %add3A_528 = arith.addi %mul3A_526, %add3A_527 : i32
      %broadcast_in_dim3A_529 = vector.broadcast %add3A_528 : i32 to vector<16xi32>
      %gather3A_530 = tpu.vector_load_idx %arg6[%broadcast_in_dim3A_529] : memref<128xi32, #tpu.memory_space<vmem>>[vector<16xi32>], vector<16xi32>,
      %shift_right_arithmetic3A_531 = arith.constant 24 : i32
      %shift_right_arithmetic3A_532 = vector.broadcast %shift_right_arithmetic3A_531 : i32 to vector<16xi32>
      %shift_right_arithmetic3A_533 = arith.shrsi %gather3A_530, %shift_right_arithmetic3A_532 : vector<16xi32>
      %and3A_534 = arith.constant 255 : i32
      %and3A_535 = vector.broadcast %and3A_534 : i32 to vector<16xi32>
      %and3A_536 = arith.andi %shift_right_arithmetic3A_533, %and3A_535 : vector<16xi32>
      %ne3A_537 = arith.constant 0 : i32
      %ne3A_538 = vector.broadcast %ne3A_537 : i32 to vector<16xi32>
      %ne3A_539 = arith.cmpi ne, %and3A_536, %ne3A_538 : vector<16xi32>
      %mul3A_540 = arith.constant 16 : i32
      %mul3A_541 = arith.muli %scan3A_118, %mul3A_540 : i32
      %add3A_542 = arith.constant 7 : i32
      %add3A_543 = arith.addi %mul3A_541, %add3A_542 : i32
      %get3A_544 = arith.index_cast %add3A_543 : i32 to index
      %get3A_545 = arith.constant 0 : index
      %get3A_546 = tpu.vector_load %arg9[%get3A_544, %get3A_545] {strides = array<i32>} : memref<512x128xf32, #tpu.memory_space<vmem>>, vector<16xf32>,
      %select_n3A_547 = arith.select %ne3A_539, %get3A_97, %get3A_546 : vector<16xi1>, vector<16xf32>
      %mul3A_548 = arith.constant 64 : i32
      %mul3A_549 = arith.muli %add3A_543, %mul3A_548 : i32
      %add3A_550 = arith.constant 0 : i32
      %add3A_551 = arith.addi %mul3A_549, %add3A_550 : i32
      %swap3A_552 = arith.index_cast %add3A_551 : i32 to index
      %swap3A_553 = tpu.vector_load %arg10[%swap3A_552] {strides = array<i32>} : memref<32768xf32, #tpu.memory_space<vmem>>, vector<16xf32>,
      tpu.vector_store %arg10[%swap3A_552], %select_n3A_547 {strides = array<i32>} : memref<32768xf32, #tpu.memory_space<vmem>>, vector<16xf32>,
      %get3A_554 = arith.index_cast %add3A_543 : i32 to index
      %get3A_555 = arith.constant 16 : index
      %get3A_556 = tpu.vector_load %arg9[%get3A_554, %get3A_555] {strides = array<i32>} : memref<512x128xf32, #tpu.memory_space<vmem>>, vector<16xf32>,
      %select_n3A_557 = arith.select %ne3A_539, %get3A_101, %get3A_556 : vector<16xi1>, vector<16xf32>
      %mul3A_558 = arith.constant 64 : i32
      %mul3A_559 = arith.muli %add3A_543, %mul3A_558 : i32
      %add3A_560 = arith.constant 16 : i32
      %add3A_561 = arith.addi %mul3A_559, %add3A_560 : i32
      %swap3A_562 = arith.index_cast %add3A_561 : i32 to index
      %swap3A_563 = tpu.vector_load %arg10[%swap3A_562] {strides = array<i32>} : memref<32768xf32, #tpu.memory_space<vmem>>, vector<16xf32>,
      tpu.vector_store %arg10[%swap3A_562], %select_n3A_557 {strides = array<i32>} : memref<32768xf32, #tpu.memory_space<vmem>>, vector<16xf32>,
      %get3A_564 = arith.index_cast %add3A_543 : i32 to index
      %get3A_565 = arith.constant 32 : index
      %get3A_566 = tpu.vector_load %arg9[%get3A_564, %get3A_565] {strides = array<i32>} : memref<512x128xf32, #tpu.memory_space<vmem>>, vector<16xf32>,
      %select_n3A_567 = arith.select %ne3A_539, %get3A_105, %get3A_566 : vector<16xi1>, vector<16xf32>
      %mul3A_568 = arith.constant 64 : i32
      %mul3A_569 = arith.muli %add3A_543, %mul3A_568 : i32
      %add3A_570 = arith.constant 32 : i32
      %add3A_571 = arith.addi %mul3A_569, %add3A_570 : i32
      %swap3A_572 = arith.index_cast %add3A_571 : i32 to index
      %swap3A_573 = tpu.vector_load %arg10[%swap3A_572] {strides = array<i32>} : memref<32768xf32, #tpu.memory_space<vmem>>, vector<16xf32>,
      tpu.vector_store %arg10[%swap3A_572], %select_n3A_567 {strides = array<i32>} : memref<32768xf32, #tpu.memory_space<vmem>>, vector<16xf32>,
      %get3A_574 = arith.index_cast %add3A_543 : i32 to index
      %get3A_575 = arith.constant 48 : index
      %get3A_576 = tpu.vector_load %arg9[%get3A_574, %get3A_575] {strides = array<i32>} : memref<512x128xf32, #tpu.memory_space<vmem>>, vector<16xf32>,
      %select_n3A_577 = arith.select %ne3A_539, %get3A_109, %get3A_576 : vector<16xi1>, vector<16xf32>
      %mul3A_578 = arith.constant 64 : i32
      %mul3A_579 = arith.muli %add3A_543, %mul3A_578 : i32
      %add3A_580 = arith.constant 48 : i32
      %add3A_581 = arith.addi %mul3A_579, %add3A_580 : i32
      %swap3A_582 = arith.index_cast %add3A_581 : i32 to index
      %swap3A_583 = tpu.vector_load %arg10[%swap3A_582] {strides = array<i32>} : memref<32768xf32, #tpu.memory_space<vmem>>, vector<16xf32>,
      tpu.vector_store %arg10[%swap3A_582], %select_n3A_577 {strides = array<i32>} : memref<32768xf32, #tpu.memory_space<vmem>>, vector<16xf32>,
      %mul3A_584 = arith.constant 4 : i32
      %mul3A_585 = arith.muli %scan3A_118, %mul3A_584 : i32
      %add3A_586 = arith.constant 2 : i32
      %add3A_587 = arith.addi %mul3A_585, %add3A_586 : i32
      %broadcast_in_dim3A_588 = vector.broadcast %add3A_587 : i32 to vector<16xi32>
      %gather3A_589 = tpu.vector_load_idx %arg6[%broadcast_in_dim3A_588] : memref<128xi32, #tpu.memory_space<vmem>>[vector<16xi32>], vector<16xi32>,
      %shift_right_arithmetic3A_590 = arith.constant 0 : i32
      %shift_right_arithmetic3A_591 = vector.broadcast %shift_right_arithmetic3A_590 : i32 to vector<16xi32>
      %shift_right_arithmetic3A_592 = arith.shrsi %gather3A_589, %shift_right_arithmetic3A_591 : vector<16xi32>
      %and3A_593 = arith.constant 255 : i32
      %and3A_594 = vector.broadcast %and3A_593 : i32 to vector<16xi32>
      %and3A_595 = arith.andi %shift_right_arithmetic3A_592, %and3A_594 : vector<16xi32>
      %ne3A_596 = arith.constant 0 : i32
      %ne3A_597 = vector.broadcast %ne3A_596 : i32 to vector<16xi32>
      %ne3A_598 = arith.cmpi ne, %and3A_595, %ne3A_597 : vector<16xi32>
      %mul3A_599 = arith.constant 16 : i32
      %mul3A_600 = arith.muli %scan3A_118, %mul3A_599 : i32
      %add3A_601 = arith.constant 8 : i32
      %add3A_602 = arith.addi %mul3A_600, %add3A_601 : i32
      %get3A_603 = arith.index_cast %add3A_602 : i32 to index
      %get3A_604 = arith.constant 0 : index
      %get3A_605 = tpu.vector_load %arg9[%get3A_603, %get3A_604] {strides = array<i32>} : memref<512x128xf32, #tpu.memory_space<vmem>>, vector<16xf32>,
      %select_n3A_606 = arith.select %ne3A_598, %get3A_97, %get3A_605 : vector<16xi1>, vector<16xf32>
      %mul3A_607 = arith.constant 64 : i32
      %mul3A_608 = arith.muli %add3A_602, %mul3A_607 : i32
      %add3A_609 = arith.constant 0 : i32
      %add3A_610 = arith.addi %mul3A_608, %add3A_609 : i32
      %swap3A_611 = arith.index_cast %add3A_610 : i32 to index
      %swap3A_612 = tpu.vector_load %arg10[%swap3A_611] {strides = array<i32>} : memref<32768xf32, #tpu.memory_space<vmem>>, vector<16xf32>,
      tpu.vector_store %arg10[%swap3A_611], %select_n3A_606 {strides = array<i32>} : memref<32768xf32, #tpu.memory_space<vmem>>, vector<16xf32>,
      %get3A_613 = arith.index_cast %add3A_602 : i32 to index
      %get3A_614 = arith.constant 16 : index
      %get3A_615 = tpu.vector_load %arg9[%get3A_613, %get3A_614] {strides = array<i32>} : memref<512x128xf32, #tpu.memory_space<vmem>>, vector<16xf32>,
      %select_n3A_616 = arith.select %ne3A_598, %get3A_101, %get3A_615 : vector<16xi1>, vector<16xf32>
      %mul3A_617 = arith.constant 64 : i32
      %mul3A_618 = arith.muli %add3A_602, %mul3A_617 : i32
      %add3A_619 = arith.constant 16 : i32
      %add3A_620 = arith.addi %mul3A_618, %add3A_619 : i32
      %swap3A_621 = arith.index_cast %add3A_620 : i32 to index
      %swap3A_622 = tpu.vector_load %arg10[%swap3A_621] {strides = array<i32>} : memref<32768xf32, #tpu.memory_space<vmem>>, vector<16xf32>,
      tpu.vector_store %arg10[%swap3A_621], %select_n3A_616 {strides = array<i32>} : memref<32768xf32, #tpu.memory_space<vmem>>, vector<16xf32>,
      %get3A_623 = arith.index_cast %add3A_602 : i32 to index
      %get3A_624 = arith.constant 32 : index
      %get3A_625 = tpu.vector_load %arg9[%get3A_623, %get3A_624] {strides = array<i32>} : memref<512x128xf32, #tpu.memory_space<vmem>>, vector<16xf32>,
      %select_n3A_626 = arith.select %ne3A_598, %get3A_105, %get3A_625 : vector<16xi1>, vector<16xf32>
      %mul3A_627 = arith.constant 64 : i32
      %mul3A_628 = arith.muli %add3A_602, %mul3A_627 : i32
      %add3A_629 = arith.constant 32 : i32
      %add3A_630 = arith.addi %mul3A_628, %add3A_629 : i32
      %swap3A_631 = arith.index_cast %add3A_630 : i32 to index
      %swap3A_632 = tpu.vector_load %arg10[%swap3A_631] {strides = array<i32>} : memref<32768xf32, #tpu.memory_space<vmem>>, vector<16xf32>,
      tpu.vector_store %arg10[%swap3A_631], %select_n3A_626 {strides = array<i32>} : memref<32768xf32, #tpu.memory_space<vmem>>, vector<16xf32>,
      %get3A_633 = arith.index_cast %add3A_602 : i32 to index
      %get3A_634 = arith.constant 48 : index
      %get3A_635 = tpu.vector_load %arg9[%get3A_633, %get3A_634] {strides = array<i32>} : memref<512x128xf32, #tpu.memory_space<vmem>>, vector<16xf32>,
      %select_n3A_636 = arith.select %ne3A_598, %get3A_109, %get3A_635 : vector<16xi1>, vector<16xf32>
      %mul3A_637 = arith.constant 64 : i32
      %mul3A_638 = arith.muli %add3A_602, %mul3A_637 : i32
      %add3A_639 = arith.constant 48 : i32
      %add3A_640 = arith.addi %mul3A_638, %add3A_639 : i32
      %swap3A_641 = arith.index_cast %add3A_640 : i32 to index
      %swap3A_642 = tpu.vector_load %arg10[%swap3A_641] {strides = array<i32>} : memref<32768xf32, #tpu.memory_space<vmem>>, vector<16xf32>,
      tpu.vector_store %arg10[%swap3A_641], %select_n3A_636 {strides = array<i32>} : memref<32768xf32, #tpu.memory_space<vmem>>, vector<16xf32>,
      %mul3A_643 = arith.constant 4 : i32
      %mul3A_644 = arith.muli %scan3A_118, %mul3A_643 : i32
      %add3A_645 = arith.constant 2 : i32
      %add3A_646 = arith.addi %mul3A_644, %add3A_645 : i32
      %broadcast_in_dim3A_647 = vector.broadcast %add3A_646 : i32 to vector<16xi32>
      %gather3A_648 = tpu.vector_load_idx %arg6[%broadcast_in_dim3A_647] : memref<128xi32, #tpu.memory_space<vmem>>[vector<16xi32>], vector<16xi32>,
      %shift_right_arithmetic3A_649 = arith.constant 8 : i32
      %shift_right_arithmetic3A_650 = vector.broadcast %shift_right_arithmetic3A_649 : i32 to vector<16xi32>
      %shift_right_arithmetic3A_651 = arith.shrsi %gather3A_648, %shift_right_arithmetic3A_650 : vector<16xi32>
      %and3A_652 = arith.constant 255 : i32
      %and3A_653 = vector.broadcast %and3A_652 : i32 to vector<16xi32>
      %and3A_654 = arith.andi %shift_right_arithmetic3A_651, %and3A_653 : vector<16xi32>
      %ne3A_655 = arith.constant 0 : i32
      %ne3A_656 = vector.broadcast %ne3A_655 : i32 to vector<16xi32>
      %ne3A_657 = arith.cmpi ne, %and3A_654, %ne3A_656 : vector<16xi32>
      %mul3A_658 = arith.constant 16 : i32
      %mul3A_659 = arith.muli %scan3A_118, %mul3A_658 : i32
      %add3A_660 = arith.constant 9 : i32
      %add3A_661 = arith.addi %mul3A_659, %add3A_660 : i32
      %get3A_662 = arith.index_cast %add3A_661 : i32 to index
      %get3A_663 = arith.constant 0 : index
      %get3A_664 = tpu.vector_load %arg9[%get3A_662, %get3A_663] {strides = array<i32>} : memref<512x128xf32, #tpu.memory_space<vmem>>, vector<16xf32>,
      %select_n3A_665 = arith.select %ne3A_657, %get3A_97, %get3A_664 : vector<16xi1>, vector<16xf32>
      %mul3A_666 = arith.constant 64 : i32
      %mul3A_667 = arith.muli %add3A_661, %mul3A_666 : i32
      %add3A_668 = arith.constant 0 : i32
      %add3A_669 = arith.addi %mul3A_667, %add3A_668 : i32
      %swap3A_670 = arith.index_cast %add3A_669 : i32 to index
      %swap3A_671 = tpu.vector_load %arg10[%swap3A_670] {strides = array<i32>} : memref<32768xf32, #tpu.memory_space<vmem>>, vector<16xf32>,
      tpu.vector_store %arg10[%swap3A_670], %select_n3A_665 {strides = array<i32>} : memref<32768xf32, #tpu.memory_space<vmem>>, vector<16xf32>,
      %get3A_672 = arith.index_cast %add3A_661 : i32 to index
      %get3A_673 = arith.constant 16 : index
      %get3A_674 = tpu.vector_load %arg9[%get3A_672, %get3A_673] {strides = array<i32>} : memref<512x128xf32, #tpu.memory_space<vmem>>, vector<16xf32>,
      %select_n3A_675 = arith.select %ne3A_657, %get3A_101, %get3A_674 : vector<16xi1>, vector<16xf32>
      %mul3A_676 = arith.constant 64 : i32
      %mul3A_677 = arith.muli %add3A_661, %mul3A_676 : i32
      %add3A_678 = arith.constant 16 : i32
      %add3A_679 = arith.addi %mul3A_677, %add3A_678 : i32
      %swap3A_680 = arith.index_cast %add3A_679 : i32 to index
      %swap3A_681 = tpu.vector_load %arg10[%swap3A_680] {strides = array<i32>} : memref<32768xf32, #tpu.memory_space<vmem>>, vector<16xf32>,
      tpu.vector_store %arg10[%swap3A_680], %select_n3A_675 {strides = array<i32>} : memref<32768xf32, #tpu.memory_space<vmem>>, vector<16xf32>,
      %get3A_682 = arith.index_cast %add3A_661 : i32 to index
      %get3A_683 = arith.constant 32 : index
      %get3A_684 = tpu.vector_load %arg9[%get3A_682, %get3A_683] {strides = array<i32>} : memref<512x128xf32, #tpu.memory_space<vmem>>, vector<16xf32>,
      %select_n3A_685 = arith.select %ne3A_657, %get3A_105, %get3A_684 : vector<16xi1>, vector<16xf32>
      %mul3A_686 = arith.constant 64 : i32
      %mul3A_687 = arith.muli %add3A_661, %mul3A_686 : i32
      %add3A_688 = arith.constant 32 : i32
      %add3A_689 = arith.addi %mul3A_687, %add3A_688 : i32
      %swap3A_690 = arith.index_cast %add3A_689 : i32 to index
      %swap3A_691 = tpu.vector_load %arg10[%swap3A_690] {strides = array<i32>} : memref<32768xf32, #tpu.memory_space<vmem>>, vector<16xf32>,
      tpu.vector_store %arg10[%swap3A_690], %select_n3A_685 {strides = array<i32>} : memref<32768xf32, #tpu.memory_space<vmem>>, vector<16xf32>,
      %get3A_692 = arith.index_cast %add3A_661 : i32 to index
      %get3A_693 = arith.constant 48 : index
      %get3A_694 = tpu.vector_load %arg9[%get3A_692, %get3A_693] {strides = array<i32>} : memref<512x128xf32, #tpu.memory_space<vmem>>, vector<16xf32>,
      %select_n3A_695 = arith.select %ne3A_657, %get3A_109, %get3A_694 : vector<16xi1>, vector<16xf32>
      %mul3A_696 = arith.constant 64 : i32
      %mul3A_697 = arith.muli %add3A_661, %mul3A_696 : i32
      %add3A_698 = arith.constant 48 : i32
      %add3A_699 = arith.addi %mul3A_697, %add3A_698 : i32
      %swap3A_700 = arith.index_cast %add3A_699 : i32 to index
      %swap3A_701 = tpu.vector_load %arg10[%swap3A_700] {strides = array<i32>} : memref<32768xf32, #tpu.memory_space<vmem>>, vector<16xf32>,
      tpu.vector_store %arg10[%swap3A_700], %select_n3A_695 {strides = array<i32>} : memref<32768xf32, #tpu.memory_space<vmem>>, vector<16xf32>,
      %mul3A_702 = arith.constant 4 : i32
      %mul3A_703 = arith.muli %scan3A_118, %mul3A_702 : i32
      %add3A_704 = arith.constant 2 : i32
      %add3A_705 = arith.addi %mul3A_703, %add3A_704 : i32
      %broadcast_in_dim3A_706 = vector.broadcast %add3A_705 : i32 to vector<16xi32>
      %gather3A_707 = tpu.vector_load_idx %arg6[%broadcast_in_dim3A_706] : memref<128xi32, #tpu.memory_space<vmem>>[vector<16xi32>], vector<16xi32>,
      %shift_right_arithmetic3A_708 = arith.constant 16 : i32
      %shift_right_arithmetic3A_709 = vector.broadcast %shift_right_arithmetic3A_708 : i32 to vector<16xi32>
      %shift_right_arithmetic3A_710 = arith.shrsi %gather3A_707, %shift_right_arithmetic3A_709 : vector<16xi32>
      %and3A_711 = arith.constant 255 : i32
      %and3A_712 = vector.broadcast %and3A_711 : i32 to vector<16xi32>
      %and3A_713 = arith.andi %shift_right_arithmetic3A_710, %and3A_712 : vector<16xi32>
      %ne3A_714 = arith.constant 0 : i32
      %ne3A_715 = vector.broadcast %ne3A_714 : i32 to vector<16xi32>
      %ne3A_716 = arith.cmpi ne, %and3A_713, %ne3A_715 : vector<16xi32>
      %mul3A_717 = arith.constant 16 : i32
      %mul3A_718 = arith.muli %scan3A_118, %mul3A_717 : i32
      %add3A_719 = arith.constant 10 : i32
      %add3A_720 = arith.addi %mul3A_718, %add3A_719 : i32
      %get3A_721 = arith.index_cast %add3A_720 : i32 to index
      %get3A_722 = arith.constant 0 : index
      %get3A_723 = tpu.vector_load %arg9[%get3A_721, %get3A_722] {strides = array<i32>} : memref<512x128xf32, #tpu.memory_space<vmem>>, vector<16xf32>,
      %select_n3A_724 = arith.select %ne3A_716, %get3A_97, %get3A_723 : vector<16xi1>, vector<16xf32>
      %mul3A_725 = arith.constant 64 : i32
      %mul3A_726 = arith.muli %add3A_720, %mul3A_725 : i32
      %add3A_727 = arith.constant 0 : i32
      %add3A_728 = arith.addi %mul3A_726, %add3A_727 : i32
      %swap3A_729 = arith.index_cast %add3A_728 : i32 to index
      %swap3A_730 = tpu.vector_load %arg10[%swap3A_729] {strides = array<i32>} : memref<32768xf32, #tpu.memory_space<vmem>>, vector<16xf32>,
      tpu.vector_store %arg10[%swap3A_729], %select_n3A_724 {strides = array<i32>} : memref<32768xf32, #tpu.memory_space<vmem>>, vector<16xf32>,
      %get3A_731 = arith.index_cast %add3A_720 : i32 to index
      %get3A_732 = arith.constant 16 : index
      %get3A_733 = tpu.vector_load %arg9[%get3A_731, %get3A_732] {strides = array<i32>} : memref<512x128xf32, #tpu.memory_space<vmem>>, vector<16xf32>,
      %select_n3A_734 = arith.select %ne3A_716, %get3A_101, %get3A_733 : vector<16xi1>, vector<16xf32>
      %mul3A_735 = arith.constant 64 : i32
      %mul3A_736 = arith.muli %add3A_720, %mul3A_735 : i32
      %add3A_737 = arith.constant 16 : i32
      %add3A_738 = arith.addi %mul3A_736, %add3A_737 : i32
      %swap3A_739 = arith.index_cast %add3A_738 : i32 to index
      %swap3A_740 = tpu.vector_load %arg10[%swap3A_739] {strides = array<i32>} : memref<32768xf32, #tpu.memory_space<vmem>>, vector<16xf32>,
      tpu.vector_store %arg10[%swap3A_739], %select_n3A_734 {strides = array<i32>} : memref<32768xf32, #tpu.memory_space<vmem>>, vector<16xf32>,
      %get3A_741 = arith.index_cast %add3A_720 : i32 to index
      %get3A_742 = arith.constant 32 : index
      %get3A_743 = tpu.vector_load %arg9[%get3A_741, %get3A_742] {strides = array<i32>} : memref<512x128xf32, #tpu.memory_space<vmem>>, vector<16xf32>,
      %select_n3A_744 = arith.select %ne3A_716, %get3A_105, %get3A_743 : vector<16xi1>, vector<16xf32>
      %mul3A_745 = arith.constant 64 : i32
      %mul3A_746 = arith.muli %add3A_720, %mul3A_745 : i32
      %add3A_747 = arith.constant 32 : i32
      %add3A_748 = arith.addi %mul3A_746, %add3A_747 : i32
      %swap3A_749 = arith.index_cast %add3A_748 : i32 to index
      %swap3A_750 = tpu.vector_load %arg10[%swap3A_749] {strides = array<i32>} : memref<32768xf32, #tpu.memory_space<vmem>>, vector<16xf32>,
      tpu.vector_store %arg10[%swap3A_749], %select_n3A_744 {strides = array<i32>} : memref<32768xf32, #tpu.memory_space<vmem>>, vector<16xf32>,
      %get3A_751 = arith.index_cast %add3A_720 : i32 to index
      %get3A_752 = arith.constant 48 : index
      %get3A_753 = tpu.vector_load %arg9[%get3A_751, %get3A_752] {strides = array<i32>} : memref<512x128xf32, #tpu.memory_space<vmem>>, vector<16xf32>,
      %select_n3A_754 = arith.select %ne3A_716, %get3A_109, %get3A_753 : vector<16xi1>, vector<16xf32>
      %mul3A_755 = arith.constant 64 : i32
      %mul3A_756 = arith.muli %add3A_720, %mul3A_755 : i32
      %add3A_757 = arith.constant 48 : i32
      %add3A_758 = arith.addi %mul3A_756, %add3A_757 : i32
      %swap3A_759 = arith.index_cast %add3A_758 : i32 to index
      %swap3A_760 = tpu.vector_load %arg10[%swap3A_759] {strides = array<i32>} : memref<32768xf32, #tpu.memory_space<vmem>>, vector<16xf32>,
      tpu.vector_store %arg10[%swap3A_759], %select_n3A_754 {strides = array<i32>} : memref<32768xf32, #tpu.memory_space<vmem>>, vector<16xf32>,
      %mul3A_761 = arith.constant 4 : i32
      %mul3A_762 = arith.muli %scan3A_118, %mul3A_761 : i32
      %add3A_763 = arith.constant 2 : i32
      %add3A_764 = arith.addi %mul3A_762, %add3A_763 : i32
      %broadcast_in_dim3A_765 = vector.broadcast %add3A_764 : i32 to vector<16xi32>
      %gather3A_766 = tpu.vector_load_idx %arg6[%broadcast_in_dim3A_765] : memref<128xi32, #tpu.memory_space<vmem>>[vector<16xi32>], vector<16xi32>,
      %shift_right_arithmetic3A_767 = arith.constant 24 : i32
      %shift_right_arithmetic3A_768 = vector.broadcast %shift_right_arithmetic3A_767 : i32 to vector<16xi32>
      %shift_right_arithmetic3A_769 = arith.shrsi %gather3A_766, %shift_right_arithmetic3A_768 : vector<16xi32>
      %and3A_770 = arith.constant 255 : i32
      %and3A_771 = vector.broadcast %and3A_770 : i32 to vector<16xi32>
      %and3A_772 = arith.andi %shift_right_arithmetic3A_769, %and3A_771 : vector<16xi32>
      %ne3A_773 = arith.constant 0 : i32
      %ne3A_774 = vector.broadcast %ne3A_773 : i32 to vector<16xi32>
      %ne3A_775 = arith.cmpi ne, %and3A_772, %ne3A_774 : vector<16xi32>
      %mul3A_776 = arith.constant 16 : i32
      %mul3A_777 = arith.muli %scan3A_118, %mul3A_776 : i32
      %add3A_778 = arith.constant 11 : i32
      %add3A_779 = arith.addi %mul3A_777, %add3A_778 : i32
      %get3A_780 = arith.index_cast %add3A_779 : i32 to index
      %get3A_781 = arith.constant 0 : index
      %get3A_782 = tpu.vector_load %arg9[%get3A_780, %get3A_781] {strides = array<i32>} : memref<512x128xf32, #tpu.memory_space<vmem>>, vector<16xf32>,
      %select_n3A_783 = arith.select %ne3A_775, %get3A_97, %get3A_782 : vector<16xi1>, vector<16xf32>
      %mul3A_784 = arith.constant 64 : i32
      %mul3A_785 = arith.muli %add3A_779, %mul3A_784 : i32
      %add3A_786 = arith.constant 0 : i32
      %add3A_787 = arith.addi %mul3A_785, %add3A_786 : i32
      %swap3A_788 = arith.index_cast %add3A_787 : i32 to index
      %swap3A_789 = tpu.vector_load %arg10[%swap3A_788] {strides = array<i32>} : memref<32768xf32, #tpu.memory_space<vmem>>, vector<16xf32>,
      tpu.vector_store %arg10[%swap3A_788], %select_n3A_783 {strides = array<i32>} : memref<32768xf32, #tpu.memory_space<vmem>>, vector<16xf32>,
      %get3A_790 = arith.index_cast %add3A_779 : i32 to index
      %get3A_791 = arith.constant 16 : index
      %get3A_792 = tpu.vector_load %arg9[%get3A_790, %get3A_791] {strides = array<i32>} : memref<512x128xf32, #tpu.memory_space<vmem>>, vector<16xf32>,
      %select_n3A_793 = arith.select %ne3A_775, %get3A_101, %get3A_792 : vector<16xi1>, vector<16xf32>
      %mul3A_794 = arith.constant 64 : i32
      %mul3A_795 = arith.muli %add3A_779, %mul3A_794 : i32
      %add3A_796 = arith.constant 16 : i32
      %add3A_797 = arith.addi %mul3A_795, %add3A_796 : i32
      %swap3A_798 = arith.index_cast %add3A_797 : i32 to index
      %swap3A_799 = tpu.vector_load %arg10[%swap3A_798] {strides = array<i32>} : memref<32768xf32, #tpu.memory_space<vmem>>, vector<16xf32>,
      tpu.vector_store %arg10[%swap3A_798], %select_n3A_793 {strides = array<i32>} : memref<32768xf32, #tpu.memory_space<vmem>>, vector<16xf32>,
      %get3A_800 = arith.index_cast %add3A_779 : i32 to index
      %get3A_801 = arith.constant 32 : index
      %get3A_802 = tpu.vector_load %arg9[%get3A_800, %get3A_801] {strides = array<i32>} : memref<512x128xf32, #tpu.memory_space<vmem>>, vector<16xf32>,
      %select_n3A_803 = arith.select %ne3A_775, %get3A_105, %get3A_802 : vector<16xi1>, vector<16xf32>
      %mul3A_804 = arith.constant 64 : i32
      %mul3A_805 = arith.muli %add3A_779, %mul3A_804 : i32
      %add3A_806 = arith.constant 32 : i32
      %add3A_807 = arith.addi %mul3A_805, %add3A_806 : i32
      %swap3A_808 = arith.index_cast %add3A_807 : i32 to index
      %swap3A_809 = tpu.vector_load %arg10[%swap3A_808] {strides = array<i32>} : memref<32768xf32, #tpu.memory_space<vmem>>, vector<16xf32>,
      tpu.vector_store %arg10[%swap3A_808], %select_n3A_803 {strides = array<i32>} : memref<32768xf32, #tpu.memory_space<vmem>>, vector<16xf32>,
      %get3A_810 = arith.index_cast %add3A_779 : i32 to index
      %get3A_811 = arith.constant 48 : index
      %get3A_812 = tpu.vector_load %arg9[%get3A_810, %get3A_811] {strides = array<i32>} : memref<512x128xf32, #tpu.memory_space<vmem>>, vector<16xf32>,
      %select_n3A_813 = arith.select %ne3A_775, %get3A_109, %get3A_812 : vector<16xi1>, vector<16xf32>
      %mul3A_814 = arith.constant 64 : i32
      %mul3A_815 = arith.muli %add3A_779, %mul3A_814 : i32
      %add3A_816 = arith.constant 48 : i32
      %add3A_817 = arith.addi %mul3A_815, %add3A_816 : i32
      %swap3A_818 = arith.index_cast %add3A_817 : i32 to index
      %swap3A_819 = tpu.vector_load %arg10[%swap3A_818] {strides = array<i32>} : memref<32768xf32, #tpu.memory_space<vmem>>, vector<16xf32>,
      tpu.vector_store %arg10[%swap3A_818], %select_n3A_813 {strides = array<i32>} : memref<32768xf32, #tpu.memory_space<vmem>>, vector<16xf32>,
      %mul3A_820 = arith.constant 4 : i32
      %mul3A_821 = arith.muli %scan3A_118, %mul3A_820 : i32
      %add3A_822 = arith.constant 3 : i32
      %add3A_823 = arith.addi %mul3A_821, %add3A_822 : i32
      %broadcast_in_dim3A_824 = vector.broadcast %add3A_823 : i32 to vector<16xi32>
      %gather3A_825 = tpu.vector_load_idx %arg6[%broadcast_in_dim3A_824] : memref<128xi32, #tpu.memory_space<vmem>>[vector<16xi32>], vector<16xi32>,
      %shift_right_arithmetic3A_826 = arith.constant 0 : i32
      %shift_right_arithmetic3A_827 = vector.broadcast %shift_right_arithmetic3A_826 : i32 to vector<16xi32>
      %shift_right_arithmetic3A_828 = arith.shrsi %gather3A_825, %shift_right_arithmetic3A_827 : vector<16xi32>
      %and3A_829 = arith.constant 255 : i32
      %and3A_830 = vector.broadcast %and3A_829 : i32 to vector<16xi32>
      %and3A_831 = arith.andi %shift_right_arithmetic3A_828, %and3A_830 : vector<16xi32>
      %ne3A_832 = arith.constant 0 : i32
      %ne3A_833 = vector.broadcast %ne3A_832 : i32 to vector<16xi32>
      %ne3A_834 = arith.cmpi ne, %and3A_831, %ne3A_833 : vector<16xi32>
      %mul3A_835 = arith.constant 16 : i32
      %mul3A_836 = arith.muli %scan3A_118, %mul3A_835 : i32
      %add3A_837 = arith.constant 12 : i32
      %add3A_838 = arith.addi %mul3A_836, %add3A_837 : i32
      %get3A_839 = arith.index_cast %add3A_838 : i32 to index
      %get3A_840 = arith.constant 0 : index
      %get3A_841 = tpu.vector_load %arg9[%get3A_839, %get3A_840] {strides = array<i32>} : memref<512x128xf32, #tpu.memory_space<vmem>>, vector<16xf32>,
      %select_n3A_842 = arith.select %ne3A_834, %get3A_97, %get3A_841 : vector<16xi1>, vector<16xf32>
      %mul3A_843 = arith.constant 64 : i32
      %mul3A_844 = arith.muli %add3A_838, %mul3A_843 : i32
      %add3A_845 = arith.constant 0 : i32
      %add3A_846 = arith.addi %mul3A_844, %add3A_845 : i32
      %swap3A_847 = arith.index_cast %add3A_846 : i32 to index
      %swap3A_848 = tpu.vector_load %arg10[%swap3A_847] {strides = array<i32>} : memref<32768xf32, #tpu.memory_space<vmem>>, vector<16xf32>,
      tpu.vector_store %arg10[%swap3A_847], %select_n3A_842 {strides = array<i32>} : memref<32768xf32, #tpu.memory_space<vmem>>, vector<16xf32>,
      %get3A_849 = arith.index_cast %add3A_838 : i32 to index
      %get3A_850 = arith.constant 16 : index
      %get3A_851 = tpu.vector_load %arg9[%get3A_849, %get3A_850] {strides = array<i32>} : memref<512x128xf32, #tpu.memory_space<vmem>>, vector<16xf32>,
      %select_n3A_852 = arith.select %ne3A_834, %get3A_101, %get3A_851 : vector<16xi1>, vector<16xf32>
      %mul3A_853 = arith.constant 64 : i32
      %mul3A_854 = arith.muli %add3A_838, %mul3A_853 : i32
      %add3A_855 = arith.constant 16 : i32
      %add3A_856 = arith.addi %mul3A_854, %add3A_855 : i32
      %swap3A_857 = arith.index_cast %add3A_856 : i32 to index
      %swap3A_858 = tpu.vector_load %arg10[%swap3A_857] {strides = array<i32>} : memref<32768xf32, #tpu.memory_space<vmem>>, vector<16xf32>,
      tpu.vector_store %arg10[%swap3A_857], %select_n3A_852 {strides = array<i32>} : memref<32768xf32, #tpu.memory_space<vmem>>, vector<16xf32>,
      %get3A_859 = arith.index_cast %add3A_838 : i32 to index
      %get3A_860 = arith.constant 32 : index
      %get3A_861 = tpu.vector_load %arg9[%get3A_859, %get3A_860] {strides = array<i32>} : memref<512x128xf32, #tpu.memory_space<vmem>>, vector<16xf32>,
      %select_n3A_862 = arith.select %ne3A_834, %get3A_105, %get3A_861 : vector<16xi1>, vector<16xf32>
      %mul3A_863 = arith.constant 64 : i32
      %mul3A_864 = arith.muli %add3A_838, %mul3A_863 : i32
      %add3A_865 = arith.constant 32 : i32
      %add3A_866 = arith.addi %mul3A_864, %add3A_865 : i32
      %swap3A_867 = arith.index_cast %add3A_866 : i32 to index
      %swap3A_868 = tpu.vector_load %arg10[%swap3A_867] {strides = array<i32>} : memref<32768xf32, #tpu.memory_space<vmem>>, vector<16xf32>,
      tpu.vector_store %arg10[%swap3A_867], %select_n3A_862 {strides = array<i32>} : memref<32768xf32, #tpu.memory_space<vmem>>, vector<16xf32>,
      %get3A_869 = arith.index_cast %add3A_838 : i32 to index
      %get3A_870 = arith.constant 48 : index
      %get3A_871 = tpu.vector_load %arg9[%get3A_869, %get3A_870] {strides = array<i32>} : memref<512x128xf32, #tpu.memory_space<vmem>>, vector<16xf32>,
      %select_n3A_872 = arith.select %ne3A_834, %get3A_109, %get3A_871 : vector<16xi1>, vector<16xf32>
      %mul3A_873 = arith.constant 64 : i32
      %mul3A_874 = arith.muli %add3A_838, %mul3A_873 : i32
      %add3A_875 = arith.constant 48 : i32
      %add3A_876 = arith.addi %mul3A_874, %add3A_875 : i32
      %swap3A_877 = arith.index_cast %add3A_876 : i32 to index
      %swap3A_878 = tpu.vector_load %arg10[%swap3A_877] {strides = array<i32>} : memref<32768xf32, #tpu.memory_space<vmem>>, vector<16xf32>,
      tpu.vector_store %arg10[%swap3A_877], %select_n3A_872 {strides = array<i32>} : memref<32768xf32, #tpu.memory_space<vmem>>, vector<16xf32>,
      %mul3A_879 = arith.constant 4 : i32
      %mul3A_880 = arith.muli %scan3A_118, %mul3A_879 : i32
      %add3A_881 = arith.constant 3 : i32
      %add3A_882 = arith.addi %mul3A_880, %add3A_881 : i32
      %broadcast_in_dim3A_883 = vector.broadcast %add3A_882 : i32 to vector<16xi32>
      %gather3A_884 = tpu.vector_load_idx %arg6[%broadcast_in_dim3A_883] : memref<128xi32, #tpu.memory_space<vmem>>[vector<16xi32>], vector<16xi32>,
      %shift_right_arithmetic3A_885 = arith.constant 8 : i32
      %shift_right_arithmetic3A_886 = vector.broadcast %shift_right_arithmetic3A_885 : i32 to vector<16xi32>
      %shift_right_arithmetic3A_887 = arith.shrsi %gather3A_884, %shift_right_arithmetic3A_886 : vector<16xi32>
      %and3A_888 = arith.constant 255 : i32
      %and3A_889 = vector.broadcast %and3A_888 : i32 to vector<16xi32>
      %and3A_890 = arith.andi %shift_right_arithmetic3A_887, %and3A_889 : vector<16xi32>
      %ne3A_891 = arith.constant 0 : i32
      %ne3A_892 = vector.broadcast %ne3A_891 : i32 to vector<16xi32>
      %ne3A_893 = arith.cmpi ne, %and3A_890, %ne3A_892 : vector<16xi32>
      %mul3A_894 = arith.constant 16 : i32
      %mul3A_895 = arith.muli %scan3A_118, %mul3A_894 : i32
      %add3A_896 = arith.constant 13 : i32
      %add3A_897 = arith.addi %mul3A_895, %add3A_896 : i32
      %get3A_898 = arith.index_cast %add3A_897 : i32 to index
      %get3A_899 = arith.constant 0 : index
      %get3A_900 = tpu.vector_load %arg9[%get3A_898, %get3A_899] {strides = array<i32>} : memref<512x128xf32, #tpu.memory_space<vmem>>, vector<16xf32>,
      %select_n3A_901 = arith.select %ne3A_893, %get3A_97, %get3A_900 : vector<16xi1>, vector<16xf32>
      %mul3A_902 = arith.constant 64 : i32
      %mul3A_903 = arith.muli %add3A_897, %mul3A_902 : i32
      %add3A_904 = arith.constant 0 : i32
      %add3A_905 = arith.addi %mul3A_903, %add3A_904 : i32
      %swap3A_906 = arith.index_cast %add3A_905 : i32 to index
      %swap3A_907 = tpu.vector_load %arg10[%swap3A_906] {strides = array<i32>} : memref<32768xf32, #tpu.memory_space<vmem>>, vector<16xf32>,
      tpu.vector_store %arg10[%swap3A_906], %select_n3A_901 {strides = array<i32>} : memref<32768xf32, #tpu.memory_space<vmem>>, vector<16xf32>,
      %get3A_908 = arith.index_cast %add3A_897 : i32 to index
      %get3A_909 = arith.constant 16 : index
      %get3A_910 = tpu.vector_load %arg9[%get3A_908, %get3A_909] {strides = array<i32>} : memref<512x128xf32, #tpu.memory_space<vmem>>, vector<16xf32>,
      %select_n3A_911 = arith.select %ne3A_893, %get3A_101, %get3A_910 : vector<16xi1>, vector<16xf32>
      %mul3A_912 = arith.constant 64 : i32
      %mul3A_913 = arith.muli %add3A_897, %mul3A_912 : i32
      %add3A_914 = arith.constant 16 : i32
      %add3A_915 = arith.addi %mul3A_913, %add3A_914 : i32
      %swap3A_916 = arith.index_cast %add3A_915 : i32 to index
      %swap3A_917 = tpu.vector_load %arg10[%swap3A_916] {strides = array<i32>} : memref<32768xf32, #tpu.memory_space<vmem>>, vector<16xf32>,
      tpu.vector_store %arg10[%swap3A_916], %select_n3A_911 {strides = array<i32>} : memref<32768xf32, #tpu.memory_space<vmem>>, vector<16xf32>,
      %get3A_918 = arith.index_cast %add3A_897 : i32 to index
      %get3A_919 = arith.constant 32 : index
      %get3A_920 = tpu.vector_load %arg9[%get3A_918, %get3A_919] {strides = array<i32>} : memref<512x128xf32, #tpu.memory_space<vmem>>, vector<16xf32>,
      %select_n3A_921 = arith.select %ne3A_893, %get3A_105, %get3A_920 : vector<16xi1>, vector<16xf32>
      %mul3A_922 = arith.constant 64 : i32
      %mul3A_923 = arith.muli %add3A_897, %mul3A_922 : i32
      %add3A_924 = arith.constant 32 : i32
      %add3A_925 = arith.addi %mul3A_923, %add3A_924 : i32
      %swap3A_926 = arith.index_cast %add3A_925 : i32 to index
      %swap3A_927 = tpu.vector_load %arg10[%swap3A_926] {strides = array<i32>} : memref<32768xf32, #tpu.memory_space<vmem>>, vector<16xf32>,
      tpu.vector_store %arg10[%swap3A_926], %select_n3A_921 {strides = array<i32>} : memref<32768xf32, #tpu.memory_space<vmem>>, vector<16xf32>,
      %get3A_928 = arith.index_cast %add3A_897 : i32 to index
      %get3A_929 = arith.constant 48 : index
      %get3A_930 = tpu.vector_load %arg9[%get3A_928, %get3A_929] {strides = array<i32>} : memref<512x128xf32, #tpu.memory_space<vmem>>, vector<16xf32>,
      %select_n3A_931 = arith.select %ne3A_893, %get3A_109, %get3A_930 : vector<16xi1>, vector<16xf32>
      %mul3A_932 = arith.constant 64 : i32
      %mul3A_933 = arith.muli %add3A_897, %mul3A_932 : i32
      %add3A_934 = arith.constant 48 : i32
      %add3A_935 = arith.addi %mul3A_933, %add3A_934 : i32
      %swap3A_936 = arith.index_cast %add3A_935 : i32 to index
      %swap3A_937 = tpu.vector_load %arg10[%swap3A_936] {strides = array<i32>} : memref<32768xf32, #tpu.memory_space<vmem>>, vector<16xf32>,
      tpu.vector_store %arg10[%swap3A_936], %select_n3A_931 {strides = array<i32>} : memref<32768xf32, #tpu.memory_space<vmem>>, vector<16xf32>,
      %mul3A_938 = arith.constant 4 : i32
      %mul3A_939 = arith.muli %scan3A_118, %mul3A_938 : i32
      %add3A_940 = arith.constant 3 : i32
      %add3A_941 = arith.addi %mul3A_939, %add3A_940 : i32
      %broadcast_in_dim3A_942 = vector.broadcast %add3A_941 : i32 to vector<16xi32>
      %gather3A_943 = tpu.vector_load_idx %arg6[%broadcast_in_dim3A_942] : memref<128xi32, #tpu.memory_space<vmem>>[vector<16xi32>], vector<16xi32>,
      %shift_right_arithmetic3A_944 = arith.constant 16 : i32
      %shift_right_arithmetic3A_945 = vector.broadcast %shift_right_arithmetic3A_944 : i32 to vector<16xi32>
      %shift_right_arithmetic3A_946 = arith.shrsi %gather3A_943, %shift_right_arithmetic3A_945 : vector<16xi32>
      %and3A_947 = arith.constant 255 : i32
      %and3A_948 = vector.broadcast %and3A_947 : i32 to vector<16xi32>
      %and3A_949 = arith.andi %shift_right_arithmetic3A_946, %and3A_948 : vector<16xi32>
      %ne3A_950 = arith.constant 0 : i32
      %ne3A_951 = vector.broadcast %ne3A_950 : i32 to vector<16xi32>
      %ne3A_952 = arith.cmpi ne, %and3A_949, %ne3A_951 : vector<16xi32>
      %mul3A_953 = arith.constant 16 : i32
      %mul3A_954 = arith.muli %scan3A_118, %mul3A_953 : i32
      %add3A_955 = arith.constant 14 : i32
      %add3A_956 = arith.addi %mul3A_954, %add3A_955 : i32
      %get3A_957 = arith.index_cast %add3A_956 : i32 to index
      %get3A_958 = arith.constant 0 : index
      %get3A_959 = tpu.vector_load %arg9[%get3A_957, %get3A_958] {strides = array<i32>} : memref<512x128xf32, #tpu.memory_space<vmem>>, vector<16xf32>,
      %select_n3A_960 = arith.select %ne3A_952, %get3A_97, %get3A_959 : vector<16xi1>, vector<16xf32>
      %mul3A_961 = arith.constant 64 : i32
      %mul3A_962 = arith.muli %add3A_956, %mul3A_961 : i32
      %add3A_963 = arith.constant 0 : i32
      %add3A_964 = arith.addi %mul3A_962, %add3A_963 : i32
      %swap3A_965 = arith.index_cast %add3A_964 : i32 to index
      %swap3A_966 = tpu.vector_load %arg10[%swap3A_965] {strides = array<i32>} : memref<32768xf32, #tpu.memory_space<vmem>>, vector<16xf32>,
      tpu.vector_store %arg10[%swap3A_965], %select_n3A_960 {strides = array<i32>} : memref<32768xf32, #tpu.memory_space<vmem>>, vector<16xf32>,
      %get3A_967 = arith.index_cast %add3A_956 : i32 to index
      %get3A_968 = arith.constant 16 : index
      %get3A_969 = tpu.vector_load %arg9[%get3A_967, %get3A_968] {strides = array<i32>} : memref<512x128xf32, #tpu.memory_space<vmem>>, vector<16xf32>,
      %select_n3A_970 = arith.select %ne3A_952, %get3A_101, %get3A_969 : vector<16xi1>, vector<16xf32>
      %mul3A_971 = arith.constant 64 : i32
      %mul3A_972 = arith.muli %add3A_956, %mul3A_971 : i32
      %add3A_973 = arith.constant 16 : i32
      %add3A_974 = arith.addi %mul3A_972, %add3A_973 : i32
      %swap3A_975 = arith.index_cast %add3A_974 : i32 to index
      %swap3A_976 = tpu.vector_load %arg10[%swap3A_975] {strides = array<i32>} : memref<32768xf32, #tpu.memory_space<vmem>>, vector<16xf32>,
      tpu.vector_store %arg10[%swap3A_975], %select_n3A_970 {strides = array<i32>} : memref<32768xf32, #tpu.memory_space<vmem>>, vector<16xf32>,
      %get3A_977 = arith.index_cast %add3A_956 : i32 to index
      %get3A_978 = arith.constant 32 : index
      %get3A_979 = tpu.vector_load %arg9[%get3A_977, %get3A_978] {strides = array<i32>} : memref<512x128xf32, #tpu.memory_space<vmem>>, vector<16xf32>,
      %select_n3A_980 = arith.select %ne3A_952, %get3A_105, %get3A_979 : vector<16xi1>, vector<16xf32>
      %mul3A_981 = arith.constant 64 : i32
      %mul3A_982 = arith.muli %add3A_956, %mul3A_981 : i32
      %add3A_983 = arith.constant 32 : i32
      %add3A_984 = arith.addi %mul3A_982, %add3A_983 : i32
      %swap3A_985 = arith.index_cast %add3A_984 : i32 to index
      %swap3A_986 = tpu.vector_load %arg10[%swap3A_985] {strides = array<i32>} : memref<32768xf32, #tpu.memory_space<vmem>>, vector<16xf32>,
      tpu.vector_store %arg10[%swap3A_985], %select_n3A_980 {strides = array<i32>} : memref<32768xf32, #tpu.memory_space<vmem>>, vector<16xf32>,
      %get3A_987 = arith.index_cast %add3A_956 : i32 to index
      %get3A_988 = arith.constant 48 : index
      %get3A_989 = tpu.vector_load %arg9[%get3A_987, %get3A_988] {strides = array<i32>} : memref<512x128xf32, #tpu.memory_space<vmem>>, vector<16xf32>,
      %select_n3A_990 = arith.select %ne3A_952, %get3A_109, %get3A_989 : vector<16xi1>, vector<16xf32>
      %mul3A_991 = arith.constant 64 : i32
      %mul3A_992 = arith.muli %add3A_956, %mul3A_991 : i32
      %add3A_993 = arith.constant 48 : i32
      %add3A_994 = arith.addi %mul3A_992, %add3A_993 : i32
      %swap3A_995 = arith.index_cast %add3A_994 : i32 to index
      %swap3A_996 = tpu.vector_load %arg10[%swap3A_995] {strides = array<i32>} : memref<32768xf32, #tpu.memory_space<vmem>>, vector<16xf32>,
      tpu.vector_store %arg10[%swap3A_995], %select_n3A_990 {strides = array<i32>} : memref<32768xf32, #tpu.memory_space<vmem>>, vector<16xf32>,
      %mul3A_997 = arith.constant 4 : i32
      %mul3A_998 = arith.muli %scan3A_118, %mul3A_997 : i32
      %add3A_999 = arith.constant 3 : i32
      %add3A_1000 = arith.addi %mul3A_998, %add3A_999 : i32
      %broadcast_in_dim3A_1001 = vector.broadcast %add3A_1000 : i32 to vector<16xi32>
      %gather3A_1002 = tpu.vector_load_idx %arg6[%broadcast_in_dim3A_1001] : memref<128xi32, #tpu.memory_space<vmem>>[vector<16xi32>], vector<16xi32>,
      %shift_right_arithmetic3A_1003 = arith.constant 24 : i32
      %shift_right_arithmetic3A_1004 = vector.broadcast %shift_right_arithmetic3A_1003 : i32 to vector<16xi32>
      %shift_right_arithmetic3A_1005 = arith.shrsi %gather3A_1002, %shift_right_arithmetic3A_1004 : vector<16xi32>
      %and3A_1006 = arith.constant 255 : i32
      %and3A_1007 = vector.broadcast %and3A_1006 : i32 to vector<16xi32>
      %and3A_1008 = arith.andi %shift_right_arithmetic3A_1005, %and3A_1007 : vector<16xi32>
      %ne3A_1009 = arith.constant 0 : i32
      %ne3A_1010 = vector.broadcast %ne3A_1009 : i32 to vector<16xi32>
      %ne3A_1011 = arith.cmpi ne, %and3A_1008, %ne3A_1010 : vector<16xi32>
      %mul3A_1012 = arith.constant 16 : i32
      %mul3A_1013 = arith.muli %scan3A_118, %mul3A_1012 : i32
      %add3A_1014 = arith.constant 15 : i32
      %add3A_1015 = arith.addi %mul3A_1013, %add3A_1014 : i32
      %get3A_1016 = arith.index_cast %add3A_1015 : i32 to index
      %get3A_1017 = arith.constant 0 : index
      %get3A_1018 = tpu.vector_load %arg9[%get3A_1016, %get3A_1017] {strides = array<i32>} : memref<512x128xf32, #tpu.memory_space<vmem>>, vector<16xf32>,
      %select_n3A_1019 = arith.select %ne3A_1011, %get3A_97, %get3A_1018 : vector<16xi1>, vector<16xf32>
      %mul3A_1020 = arith.constant 64 : i32
      %mul3A_1021 = arith.muli %add3A_1015, %mul3A_1020 : i32
      %add3A_1022 = arith.constant 0 : i32
      %add3A_1023 = arith.addi %mul3A_1021, %add3A_1022 : i32
      %swap3A_1024 = arith.index_cast %add3A_1023 : i32 to index
      %swap3A_1025 = tpu.vector_load %arg10[%swap3A_1024] {strides = array<i32>} : memref<32768xf32, #tpu.memory_space<vmem>>, vector<16xf32>,
      tpu.vector_store %arg10[%swap3A_1024], %select_n3A_1019 {strides = array<i32>} : memref<32768xf32, #tpu.memory_space<vmem>>, vector<16xf32>,
      %get3A_1026 = arith.index_cast %add3A_1015 : i32 to index
      %get3A_1027 = arith.constant 16 : index
      %get3A_1028 = tpu.vector_load %arg9[%get3A_1026, %get3A_1027] {strides = array<i32>} : memref<512x128xf32, #tpu.memory_space<vmem>>, vector<16xf32>,
      %select_n3A_1029 = arith.select %ne3A_1011, %get3A_101, %get3A_1028 : vector<16xi1>, vector<16xf32>
      %mul3A_1030 = arith.constant 64 : i32
      %mul3A_1031 = arith.muli %add3A_1015, %mul3A_1030 : i32
      %add3A_1032 = arith.constant 16 : i32
      %add3A_1033 = arith.addi %mul3A_1031, %add3A_1032 : i32
      %swap3A_1034 = arith.index_cast %add3A_1033 : i32 to index
      %swap3A_1035 = tpu.vector_load %arg10[%swap3A_1034] {strides = array<i32>} : memref<32768xf32, #tpu.memory_space<vmem>>, vector<16xf32>,
      tpu.vector_store %arg10[%swap3A_1034], %select_n3A_1029 {strides = array<i32>} : memref<32768xf32, #tpu.memory_space<vmem>>, vector<16xf32>,
      %get3A_1036 = arith.index_cast %add3A_1015 : i32 to index
      %get3A_1037 = arith.constant 32 : index
      %get3A_1038 = tpu.vector_load %arg9[%get3A_1036, %get3A_1037] {strides = array<i32>} : memref<512x128xf32, #tpu.memory_space<vmem>>, vector<16xf32>,
      %select_n3A_1039 = arith.select %ne3A_1011, %get3A_105, %get3A_1038 : vector<16xi1>, vector<16xf32>
      %mul3A_1040 = arith.constant 64 : i32
      %mul3A_1041 = arith.muli %add3A_1015, %mul3A_1040 : i32
      %add3A_1042 = arith.constant 32 : i32
      %add3A_1043 = arith.addi %mul3A_1041, %add3A_1042 : i32
      %swap3A_1044 = arith.index_cast %add3A_1043 : i32 to index
      %swap3A_1045 = tpu.vector_load %arg10[%swap3A_1044] {strides = array<i32>} : memref<32768xf32, #tpu.memory_space<vmem>>, vector<16xf32>,
      tpu.vector_store %arg10[%swap3A_1044], %select_n3A_1039 {strides = array<i32>} : memref<32768xf32, #tpu.memory_space<vmem>>, vector<16xf32>,
      %get3A_1046 = arith.index_cast %add3A_1015 : i32 to index
      %get3A_1047 = arith.constant 48 : index
      %get3A_1048 = tpu.vector_load %arg9[%get3A_1046, %get3A_1047] {strides = array<i32>} : memref<512x128xf32, #tpu.memory_space<vmem>>, vector<16xf32>,
      %select_n3A_1049 = arith.select %ne3A_1011, %get3A_109, %get3A_1048 : vector<16xi1>, vector<16xf32>
      %mul3A_1050 = arith.constant 64 : i32
      %mul3A_1051 = arith.muli %add3A_1015, %mul3A_1050 : i32
      %add3A_1052 = arith.constant 48 : i32
      %add3A_1053 = arith.addi %mul3A_1051, %add3A_1052 : i32
      %swap3A_1054 = arith.index_cast %add3A_1053 : i32 to index
      %swap3A_1055 = tpu.vector_load %arg10[%swap3A_1054] {strides = array<i32>} : memref<32768xf32, #tpu.memory_space<vmem>>, vector<16xf32>,
      tpu.vector_store %arg10[%swap3A_1054], %select_n3A_1049 {strides = array<i32>} : memref<32768xf32, #tpu.memory_space<vmem>>, vector<16xf32>,
    }
    %scan3A_114 = arith.constant 32 : i32
    %mul3A_115 = arith.constant 32768 : i32
    %mul3A_116 = arith.muli %add3A, %mul3A_115 : i32
    %multiple_of3A_117 = tpu.assume_multiple %mul3A_116, 32768 : i32
    "tpu.region"() ({
      %run_scoped3A_118 = tpu.sem_alloc : memref<!tpu.dma_semaphore, #tpu.memory_space<semaphore_mem>>
      %dma_start3A_119 = tpu.memref_slice %arg5[%multiple_of3A_117] : memref<1048576xf32, #tpu.memory_space<hbm>> -> memref<32768xf32, #tpu.memory_space<hbm>>
      %dma_start3A_120 = tpu.memref_slice %arg5[%multiple_of3A_117] : memref<1048576xf32, #tpu.memory_space<hbm>> -> memref<32768xf32, #tpu.memory_space<hbm>>
      tpu.enqueue_dma source(%arg10 : memref<32768xf32, #tpu.memory_space<vmem>>) target(%dma_start3A_120 : memref<32768xf32, #tpu.memory_space<hbm>>) target_semaphore(%run_scoped3A_118 : memref<!tpu.dma_semaphore, #tpu.memory_space<semaphore_mem>>)
      %dma_wait3A_121 = tpu.memref_slice %arg5[%multiple_of3A_117] : memref<1048576xf32, #tpu.memory_space<hbm>> -> memref<32768xf32, #tpu.memory_space<hbm>>
      %dma_wait3A_122 = tpu.memref_slice %arg5[%multiple_of3A_117] : memref<1048576xf32, #tpu.memory_space<hbm>> -> memref<32768xf32, #tpu.memory_space<hbm>>
      tpu.wait_dma2 semaphore(%run_scoped3A_118 : memref<!tpu.dma_semaphore, #tpu.memory_space<semaphore_mem>>) src(%arg10 : memref<32768xf32, #tpu.memory_space<vmem>>) dst(%dma_wait3A_122 : memref<32768xf32, #tpu.memory_space<hbm>>)
      tpu.yield
    }) : () -> ()
    return
  }
}

</mosaic_0001>

<sc_bundles>
// kernel: kernel.3.cloned.1.call-start
scs
__scs_entry_jumppad:
0x0: {  	(pc) =	sbr.rel $0x88, $3  }
0x1: {  	(tag) =	ssettag $0x0;
	lr =	simm.s32 $0x1  }
0x2: {  	[smem:$0x3F9E] =	sst lr;
	_ =	strace $0xD0000000  }
0x3: {  	_ = 	snop  }
0x4: {  	_ = 	snop  }
0x5: {  	_ = 	snop  }
0x6: {  	_ = 	snop  }
0x7: {  	_ = 	snop  }
__scs_overlays_trampoline_lowered:
0x8: {  	[smem:$0x3FAD] =	sst s0  }
0x9: {  	[smem:$0x3FAE] =	sst s1  }
0xa: {  	[smem:$0x3FAF] =	sst s2  }
0xb: {  	[smem:$0x3FB0] =	sst s3  }
0xc: {  	[smem:$0x3FB1] =	sst s4  }
0xd: {  	[smem:$0x3FB2] =	sst s5  }
0xe: {  	[smem:$0x3FB3] =	sst s6  }
0xf: {  	[smem:$0x3FB4] =	sst s7  }
0x10: {  	[smem:$0x3FB5] =	sst s8  }
0x11: {  	[smem:$0x3FB6] =	sst s9;
	s0 =	simm.s32 @!p0 $0x0  }
0x12: {  	s1 =	sld [smem:$0x3F9C];
	s0 =	simm.s32 @p0 $0x1  }
0x13: {  	[smem:$0x3FB7] =	sst s0;
	s0 =	simm.s32 @!p1 $0x0  }
0x14: {  	s2 =	sld [smem:$0x3F9B];
	s0 =	simm.s32 @p1 $0x1  }
0x15: {  	[smem:$0x3FB8] =	sst s0;
	s0 =	simm.s32 @!p2 $0x0  }
0x16: {  	s3 =	sld [smem:$0x3FDB];
	s0 =	simm.s32 @p2 $0x1  }
0x17: {  	s4 =	simm.s32 $0x1BF5;
	[smem:$0x3FBA] =	sst s0  }
0x18: {  	s0 =	sld [smem:$0x3F9D];
	_ =	swait.ge [sflag:s4], $0x0  }
0x19: {  	s7 =	sld [smem:$0x3F9E]  }
0x1a: {  	s8 =	sadd.s32 $0xFFFFE003, lr  }
0x1b: {  	s9 =	sadd.s32 $0xFFFFFEF7, lr;
	s5 =	simm.s32 $0xFFFFFFFF;
	p2 =	slt.u32 s8, $0xFFFFF086  }
0x1c: {  	p1 =	slt.u32 s9, $0xF7A;
	s5 =	simm.s32 @!p2 $0x0  }
0x1d: {  	s5 =	simm.s32 @p1 $0x1;
	p0 =	seq.s32 s7, s2  }
0x1e: {  	s7 =	smul.u32 @!p0 $0xF7A, s2;
	p2 =	seq.s32 @!p0 s5, $0x0  }
0x1f: {  	s9 =	smul.u32 $0xF7A, s1;
	s8 =	simm.s32 @!p0 $0x1BF5;
	p2 =	por !p2, p0  }
0x20: {  	[sflag:s8] =	ssyncset.s32 @!p0 $0xFFFFF086;
	s6 =	sadd.s32 @!p0 s3, s7;
	s7 =	simm.s32 @!p0 $0x108  }
0x21: {  	s3 =	sadd.s32 s3, s9;
	s6 =	sadd.s32 @!p0 $0x88, s6;
	s7 =	simm.s32 @p2 $0x1082  }
0x22: {  	[simem:s7], [sflag:s8] =	dma.local @!p0 [hbm:s6], $0xF7A  }
0x23: {  	s9 =	sor.u32 $0xD0000000, s2;
	s6 =	simm.s32 $0x108;
	_ =	swait.ge @!p0 [sflag:s8], $0x0  }
0x24: {  	s3 =	sadd.s32 $0x88, s3;
	s6 =	simm.s32 @!p1 $0x1082;
	[sflag:s4] =	ssyncset.s32 $0xFFFFF086  }
0x25: {  	[simem:s6], [sflag:s4] =	dma.local [hbm:s3], $0xF7A  }
0x26: {  	[smem:$0x3F9E] =	sst s1;
	(tag) =	ssettag s2;
	_ =	strace s9  }
0x27: {  	s1 =	sld [smem:$0x3FAE]  }
0x28: {  	s2 =	sld [smem:$0x3FAF]  }
0x29: {  	s4 =	sld [smem:$0x3FB1]  }
0x2a: {  	p0 =	seq.s32 s5, $0x0;
	s5 =	sld [smem:$0x3FB2]  }
0x2b: {  	s6 =	sld [smem:$0x3FB3]  }
0x2c: {  	s7 =	sld [smem:$0x3FB4]  }
0x2d: {  	s3 =	simm.s32 $0x108;
	s8 =	sld [smem:$0x3FB5]  }
0x2e: {  	s3 =	simm.s32 @!p0 $0x1082;
	s9 =	sld [smem:$0x3FB6]  }
0x2f: {  	lr =	sadd.s32 s0, s3;
	s0 =	sld [smem:$0x3FAD]  }
0x30: {  	s3 =	sld [smem:$0x3FB0]  }
0x31: {  	[smem:$0x3FB9] =	sst s10  }
0x32: {  	s10 =	sld [smem:$0x3FB7];
	_ =	sdelay $0x3  }
0x33: {  	p0 =	seq.s32 s10, $0x1;
	s10 =	sld [smem:$0x3FB9];
	_ =	sdelay $0x3  }
0x34: {  	[smem:$0x3FB9] =	sst s10  }
0x35: {  	s10 =	sld [smem:$0x3FB8];
	_ =	sdelay $0x3  }
0x36: {  	p1 =	seq.s32 s10, $0x1;
	s10 =	sld [smem:$0x3FB9];
	_ =	sdelay $0x3  }
0x37: {  	[smem:$0x3FB9] =	sst s10  }
0x38: {  	s10 =	sld [smem:$0x3FBA]  }
0x39: {  	_ = 	snop;
	(pc) =	sbr.ind lr, $3  }
0x3a: {  	_ = 	snop  }
0x3b: {  	_ = 	snop  }
0x3c: {  	p2 =	seq.s32 s10, $0x1;
	s10 =	sld [smem:$0x3FB9]  }
0x3d: {  	_ =	shalt  }
0x3e: {  	_ =	shalt  }
0x3f: {  	_ =	shalt  }
0x40: {  	_ =	shalt  }
0x41: {  	_ =	shalt  }
0x42: {  	_ =	shalt  }
0x43: {  	_ =	shalt  }
0x44: {  	_ =	shalt  }
0x45: {  	_ =	shalt  }
0x46: {  	_ =	shalt  }
0x47: {  	_ =	shalt  }
0x48: {  	_ =	shalt  }
0x49: {  	_ =	shalt  }
0x4a: {  	_ =	shalt  }
0x4b: {  	_ =	shalt  }
0x4c: {  	_ =	shalt  }
0x4d: {  	_ =	shalt  }
0x4e: {  	_ =	shalt  }
0x4f: {  	_ =	shalt  }
0x50: {  	_ =	shalt  }
0x51: {  	_ =	shalt  }
0x52: {  	_ =	shalt  }
0x53: {  	_ =	shalt  }
0x54: {  	_ =	shalt  }
0x55: {  	_ =	shalt  }
0x56: {  	_ =	shalt  }
0x57: {  	_ =	shalt  }
0x58: {  	_ =	shalt  }
0x59: {  	_ =	shalt  }
0x5a: {  	_ =	shalt  }
0x5b: {  	_ =	shalt  }
0x5c: {  	_ =	shalt  }
0x5d: {  	_ =	shalt  }
0x5e: {  	_ =	shalt  }
0x5f: {  	_ =	shalt  }
0x60: {  	_ =	shalt  }
0x61: {  	_ =	shalt  }
0x62: {  	_ =	shalt  }
0x63: {  	_ =	shalt  }
0x64: {  	_ =	shalt  }
0x65: {  	_ =	shalt  }
0x66: {  	_ =	shalt  }
0x67: {  	_ =	shalt  }
0x68: {  	_ =	shalt  }
0x69: {  	_ =	shalt  }
0x6a: {  	_ =	shalt  }
0x6b: {  	_ =	shalt  }
0x6c: {  	_ =	shalt  }
0x6d: {  	_ =	shalt  }
0x6e: {  	_ =	shalt  }
0x6f: {  	_ =	shalt  }
0x70: {  	_ =	shalt  }
0x71: {  	_ =	shalt  }
0x72: {  	_ =	shalt  }
0x73: {  	_ =	shalt  }
0x74: {  	_ =	shalt  }
0x75: {  	_ =	shalt  }
0x76: {  	_ =	shalt  }
0x77: {  	_ =	shalt  }
0x78: {  	_ =	shalt  }
0x79: {  	_ =	shalt  }
0x7a: {  	_ =	shalt  }
0x7b: {  	_ =	shalt  }
0x7c: {  	_ =	shalt  }
0x7d: {  	_ =	shalt  }
0x7e: {  	_ =	shalt  }
0x7f: {  	_ =	shalt  }
0x80: {  	_ =	shalt  }
0x81: {  	_ =	shalt  }
0x82: {  	_ =	shalt  }
0x83: {  	_ =	shalt  }
0x84: {  	_ =	shalt  }
0x85: {  	_ =	shalt  }
0x86: {  	_ =	shalt  }
0x87: {  	_ =	shalt  }
.Lfunc_end0:
.L_simem_size_0:
called_computation_lowered:
.L_overlay_start_0:
0x88: {  	s2 =	sld [smem:$0x3FD9]  }
0x89: {  	s3 =	sld [smem:$0x3FFE];
	_ =	sdelay $0x1  }
0x8a: {  	s1 =	srdreg.scid  }
0x8b: {  	s0 =	sand.u32 $0x1, s1  }
0x8c: {  	s17 =	sshll.u32 s0, $0xA;
	s2 =	sadd.s32 s3, s2  }
0x8d: {  	s2 =	sadd.s32 s2, s17  }
0x8e: {  	[smem:$0x3FC5] =	sst s2  }
0x8f: {  	_ = 	snop  }
0x90: {  	s2 =	sld [smem:$0x3FC9]  }
0x91: {  	s18 =	sld [smem:$0x3FD0];
	(tm) =	ssettm $0x1  }
0x92: {  	s4 =	sld [smem:$0x3FFB];
	_ =	sdelay $0x3  }
0x93: {  	_ =	strace s4  }
0x94: {  	s4 =	sld [smem:$0x3FFC];
	_ =	sdelay $0x3  }
0x95: {  	_ =	strace s4  }
0x96: {  	s4 =	sld [smem:$0x3FFD];
	_ =	sdelay $0x3  }
0x97: {  	_ =	strace s4  }
0x98: {  	_ =	strace $0x8FFFFFFF  }
0x99: {  	s19 =	sld [smem:$0x3FDB];
	_ =	sdelay $0x1  }
0x9a: {  	s5 =	simm.s32 $_scs_section_size  }
0x9b: {  	s6 =	simm.s32 $_size__tile_overlayer_lowered;
	s7 =	simm.s32 $_tile_overlayer_lowered  }
0x9c: {  	s22 =	simm.s32 $0x1BFF;
	s21 =	sshll.u32 s7, $0x1;
	s4 =	sadd.s32 s5, s19  }
0x9d: {  	s8 =	simm.s32 $0x0;
	s20 =	sshll.u32 s6, $0x1;
	s6 =	sadd.s32 s21, s4  }
0x9e: {  	[timem:s8], [sflag:s22] =	dma.local [hbm:s6], s20  }
0x9f: {  	_ =	swait.ge [sflag:s22], s20  }
0xa0: {  	s5 =	ssub.s32 $0x0, s20;
	[sflag:s22] =	ssyncset.done $0x0  }
0xa1: {  	[sflag:s22] =	ssyncadd.s32 s5;
	_ =	sdelay $0x1  }
0xa2: {  	s23 =	simm.s32 $0x1B8B  }
0xa3: {  	_ =	swait.ge [sflag:s23], $0x1  }
0xa4: {  	[sflag:s23] =	ssyncset.done $0x0  }
0xa5: {  	s25 =	simm.s32 $0x1B8E;
	s24 =	sld [smem:$0x3FFE];
	[sflag:s23] =	ssyncadd.s32 $0xFFFFFFFF  }
0xa6: {  	s26 =	simm.s32 $execute0_lowered;
	[smem:$0x3FD2] =	sst s25  }
0xa7: {  	s6 =	sshll.u32 s26, $0x1;
	_ =	strace $0x80000046;
	[dreg:$0x1] =	wrdreg $0xFFFFFFFF  }
0xa8: {  	s28 =	simm.s32 $_size_execute0_lowered;
	s4 =	sadd.s32 s4, s6;
	[dreg:$0x0] =	wrdreg $0x0  }
0xa9: {  	s6 =	sshll.u32 s28, $0x1;
	[dreg:$0x2] =	wrdreg s4  }
0xaa: {  	[dreg:$0x3] =	wrdreg s6  }
0xab: {  	[dreg:$0x4] =	wrdreg $0xC0  }
0xac: {  	_ =	task [dreg:s8], $0x5FFFF  }
0xad: {  	[dreg:$0x1] =	wrdreg $0xFFFFFFFF  }
0xae: {  	[dreg:$0x0] =	wrdreg $0x60  }
0xaf: {  	[dreg:$0x2] =	wrdreg s2  }
0xb0: {  	[dreg:$0x3] =	wrdreg s24  }
0xb1: {  	[dreg:$0x4] =	wrdreg s18  }
0xb2: {  	[dreg:$0x5] =	wrdreg $0x9  }
0xb3: {  	_ =	task.clear_ibuf [dreg:s8], $0x6FFFF;
	_ =	strace $0x90000046  }
0xb4: {  	s29 =	simm.s32 $0x9;
	_ =	strace $0x80000048  }
0xb5: {  	_ =	swait.ge [sflag:s29], $0x1  }
0xb6: {  	[sflag:s29] =	ssyncadd.s32 $0xFFFFFFFF  }
0xb7: {  	_ =	strace $0x90000048  }
0xb8: {  	_ =	sfence  }
0xb9: {  	s30 =	sld [smem:$0x0];
	_ =	sdelay $0x2  }
0xba: {  	s31 =	sshll.u32 s1, $0xD;
	s1 =	sshrl.u32 s1, $0x2  }
0xbb: {  	s3 =	sand.u32 $0x4000, s31;
	s1 =	sadd.s32 s1, s30  }
0xbc: {  	s0 =	sor.u32 s3, s0;
	s1 =	sshll.u32 s1, $0x11  }
0xbd: {  	s0 =	sor.u32 s1, s0  }
0xbe: {  	s0 =	sadd.s32 $0x8F2B, s0  }
0xbf: {  	[sflag:s0] =	ssyncadd.remote.s32 $0x1  }
0xc0: {  	_ =	sfence.sel $0xFFFF  }
0xc1: {  	[dreg:$0x0] =	wrdreg $0xFFFFFFFF;
	(pc) =	sbr.abs _section_cstart, $3  }
0xc2: {  	[dreg:$0x1] =	wrdreg $0xFFFFFFFF  }
0xc3: {  	_ =	task.clear_ibuf [dreg:s8], $0x2FFFF;
	_ =	strace $0x9FFFFFFF  }
0xc4: {  	(tm) =	ssettm $0x7FFFFFFF  }
0xc5: {  	_ =	shalt  }
tec
execute0_lowered:
.L_overlay_start_1:
0x0: {  	(tag) =	ssettag $0x1  }
0x1: {  	s4 =	rddreg [dreg:$0x0]  }
0x2: {  	s9 =	rddreg [dreg:$0x1]  }
0x3: {  	s10 =	rddreg [dreg:$0x2];
	s3 =	srdreg.scid  }
0x4: {  	s1 =	stileid.u32;
	s2 =	simm.s32 $0x0;
	s13 =	simm.s32 $0x2  }
0x5: {  	s14 =	simm.s32 $0x100;
	s15 =	simm.s32 $0x180;
	s16 =	simm.s32 $0x200  }
0x6: {  	s17 =	simm.s32 $0x280;
	s18 =	simm.s32 $0x300;
	s19 =	simm.s32 $0x4300  }
0x7: {  	s20 =	simm.s32 $0x8300;
	s21 =	simm.s32 $0xC300;
	s22 =	simm.s32 $0x1  }
0x8: {  	s23 =	simm.s32 $0x10300;
	s3 =	sand.u32 $0x1, s3;
	s5 =	sshll.u32 s1, $0x1  }
0x9: {  	s24 =	simm.s32 $0x0;
	[smem:$0x7FF] =	sst s2;
	s11 =	sor.u32 s3, s5  }
0xa: {  	_ =	strace $0x80000047;
	s6 =	ssub.s32 $0x2, s3;
	s3 =	sadd.s32 $0x187000, s9  }
0xb: {  	s5 =	sshll.u32 s11, $0x4;
	s31 =	sshrl.u32 s6, $0x1;
	s8 =	sshll.u32 s11, $0x6  }
0xc: {  	s11 =	sshll.u32 s11, $0xC;
	s7 =	sadd.s32 s5, s9;
	s12 =	ssub.s32 s6, s31  }
0xd: {  	s4 =	sadd.s32 s4, s8;
	s9 =	sadd.s32 $0x30DA00, s9;
	s10 =	sadd.s32 s10, s11  }
0xe: {  	s5 =	sadd.s32 $0x10, s4;
	s6 =	sadd.s32 $0x20, s4;
	s7 =	sadd.s32 $0x186E00, s7  }
0xf: {  	s8 =	sadd.s32 $0x30, s4;
	s11 =	smax.u32 s12, $0x1;
	s12 =	simm.s32 $0x80  }
.LBB2_1:
0x10: {  	[tilespmem:s12], [sflag:$0x2] =	stream.linear.gather [hbm4b:s4+s2], $0x80, $0x38;
	[tilespmem:$0x18300] =	vst v63  }
0x11: {  	_ =	swait.ge [sflag:s13], $0x80  }
0x12: {  	[sflag:s13] =	ssyncset.done $0x0  }
0x13: {  	[sflag:s13] =	ssyncadd.s32 $0xFFFFFF80  }
0x14: {  	[tilespmem:s14], [sflag:$0x2] =	stream.linear.gather [hbm4b:s5+s2], $0x80, $0x38;
	[tilespmem:$0x18300] =	vst v63  }
0x15: {  	_ =	swait.ge [sflag:s13], $0x80  }
0x16: {  	[sflag:s13] =	ssyncset.done $0x0  }
0x17: {  	[sflag:s13] =	ssyncadd.s32 $0xFFFFFF80  }
0x18: {  	[tilespmem:s15], [sflag:$0x2] =	stream.linear.gather [hbm4b:s6+s2], $0x80, $0x38;
	[tilespmem:$0x18300] =	vst v63  }
0x19: {  	_ =	swait.ge [sflag:s13], $0x80  }
0x1a: {  	[sflag:s13] =	ssyncset.done $0x0  }
0x1b: {  	[sflag:s13] =	ssyncadd.s32 $0xFFFFFF80  }
0x1c: {  	[tilespmem:s16], [sflag:$0x2] =	stream.linear.gather [hbm4b:s8+s2], $0x80, $0x38;
	[tilespmem:$0x18300] =	vst v63  }
0x1d: {  	_ =	swait.ge [sflag:s13], $0x80  }
0x1e: {  	[sflag:s13] =	ssyncset.done $0x0  }
0x1f: {  	[sflag:s13] =	ssyncadd.s32 $0xFFFFFF80  }
0x20: {  	[tilespmem:s2], [sflag:$0x2] =	stream.linear.gather [hbm4b:s7+s2], $0x80, $0x38;
	[tilespmem:$0x18300] =	vst v63  }
0x21: {  	_ =	swait.ge [sflag:s13], $0x80  }
0x22: {  	[sflag:s13] =	ssyncset.done $0x0  }
0x23: {  	[sflag:s13] =	ssyncadd.s32 $0xFFFFFF80  }
0x24: {  	[tilespmem:s17], [sflag:$0x2] =	stream.linear.gather [hbm4b:s9+s2], $0x80, $0x38;
	[tilespmem:$0x18300] =	vst v63  }
0x25: {  	_ =	swait.ge [sflag:s13], $0x80  }
0x26: {  	[sflag:s13] =	ssyncset.done $0x0  }
0x27: {  	[sflag:s13] =	ssyncadd.s32 $0xFFFFFF80  }
0x28: {  	[tilespmem:s18], [sflag:$0x1] =	stream.indirect.gather [hbm4b:s3+s12], $0x80, s12, s12, $0xb8;
	[tilespmem:$0x18300] =	vst v63  }
0x29: {  	_ = 	snop  }
0x2a: {  	[tilespmem:s19], [sflag:$0x1] =	stream.indirect.gather [hbm4b:s3+s12], $0x80, s14, s12, $0xb8;
	[tilespmem:$0x18300] =	vst v63  }
0x2b: {  	_ = 	snop  }
0x2c: {  	[tilespmem:s20], [sflag:$0x1] =	stream.indirect.gather [hbm4b:s3+s12], $0x80, s15, s12, $0xb8;
	[tilespmem:$0x18300] =	vst v63  }
0x2d: {  	_ = 	snop  }
0x2e: {  	[tilespmem:s21], [sflag:$0x1] =	stream.indirect.gather [hbm4b:s3+s12], $0x80, s16, s12, $0xb8;
	[tilespmem:$0x18300] =	vst v63  }
0x2f: {  	_ =	swait.ge [sflag:s22], $0x4000  }
0x30: {  	[sflag:s22] =	ssyncset.done $0x0  }
0x31: {  	[sflag:s22] =	ssyncadd.s32 $0xFFFFC000  }
0x32: {  	_ =	swait.ge [sflag:s22], $0x4000  }
0x33: {  	[sflag:s22] =	ssyncset.done $0x0  }
0x34: {  	[sflag:s22] =	ssyncadd.s32 $0xFFFFC000  }
0x35: {  	_ =	swait.ge [sflag:s22], $0x4000  }
0x36: {  	[sflag:s22] =	ssyncset.done $0x0  }
0x37: {  	[sflag:s22] =	ssyncadd.s32 $0xFFFFC000  }
0x38: {  	_ =	swait.ge [sflag:s22], $0x4000  }
0x39: {  	[sflag:s22] =	ssyncset.done $0x0  }
0x3a: {  	[sflag:s22] =	ssyncadd.s32 $0xFFFFC000  }
0x3b: {  	v0 =	vld [tilespmem:$0x280]  }
0x3c: {  	v1 =	vld [tilespmem:$0x290]  }
0x3d: {  	s25 =	simm.s32 $0x3C0;
	v2 =	vld [tilespmem:$0x2A0]  }
0x3e: {  	s26 =	simm.s32 $0x700;
	s28 =	simm.s32 $0x10500;
	s29 =	simm.s32 $0x0;
	v3 =	vld [tilespmem:$0x2B0]  }
.LBB2_2:
0x3f: {  	v4 =	vmov s29  }
0x40: {  	v4 =	vand.u32 $0xFFFFFFFC, v4  }
0x41: {  	v4 =	vbroadcast v4, $0x0;
	_ =	sdelay $0x5  }
0x42: {  	v5 =	vld.idx.msk [tilespmem:v4+s2+$0x0], $0xffff;
	_ =	sdelay $0x1  }
0x43: {  	v6 =	vld [tilespmem:s26+$0xFFFFFC00];
	_ =	sdelay $0x2  }
0x44: {  	v5 =	vand.u32 $0xFF, v5  }
0x45: {  	vm0 =	veq.s32 v5, $0x0  }
0x46: {  	v5 =	vsel vm0, v6, v0  }
0x47: {  	[tilespmem:s28+$0xFFFFFE00] =	vst v5  }
0x48: {  	v5 =	vld [tilespmem:s26+$0xFFFFFC10];
	_ =	sdelay $0x4  }
0x49: {  	v5 =	vsel vm0, v5, v1  }
0x4a: {  	[tilespmem:s28+$0xFFFFFE10] =	vst v5  }
0x4b: {  	v5 =	vld [tilespmem:s26+$0xFFFFFC20];
	_ =	sdelay $0x4  }
0x4c: {  	v5 =	vsel vm0, v5, v2  }
0x4d: {  	[tilespmem:s28+$0xFFFFFE20] =	vst v5  }
0x4e: {  	v5 =	vld [tilespmem:s26+$0xFFFFFC30];
	_ =	sdelay $0x4  }
0x4f: {  	v5 =	vsel vm0, v5, v3  }
0x50: {  	[tilespmem:s28+$0xFFFFFE30] =	vst v5  }
0x51: {  	v5 =	vld.idx.msk [tilespmem:v4+s2+$0x0], $0xffff;
	_ =	sdelay $0x1  }
0x52: {  	v53 =	vld [tilespmem:s26+$0xFFFFFC80];
	_ =	sdelay $0x2  }
0x53: {  	v5 =	vand.u32 $0xFF00, v5  }
0x54: {  	vm13 =	veq.s32 v5, $0x0  }
0x55: {  	v5 =	vsel vm13, v53, v0  }
0x56: {  	[tilespmem:s28+$0xFFFFFE40] =	vst v5  }
0x57: {  	v5 =	vld [tilespmem:s26+$0xFFFFFC90];
	_ =	sdelay $0x3  }
0x58: {  	s30 =	sadd.s32 $0xFFFFFC80, s25  }
0x59: {  	s31 =	sor.u32 $0x50, s30;
	v5 =	vsel vm13, v5, v1  }
0x5a: {  	[tilespmem:s31+$0x10300] =	vst v5  }
0x5b: {  	v5 =	vld [tilespmem:s26+$0xFFFFFCA0];
	_ =	sdelay $0x4  }
0x5c: {  	s0 =	sor.u32 $0x60, s30;
	v5 =	vsel vm13, v5, v2  }
0x5d: {  	[tilespmem:s0+$0x10300] =	vst v5  }
0x5e: {  	v5 =	vld [tilespmem:s26+$0xFFFFFCB0];
	_ =	sdelay $0x4  }
0x5f: {  	s30 =	sor.u32 $0x70, s30;
	v5 =	vsel vm13, v5, v3  }
0x60: {  	[tilespmem:s30+$0x10300] =	vst v5  }
0x61: {  	v5 =	vld.idx.msk [tilespmem:v4+s2+$0x0], $0xffff;
	_ =	sdelay $0x1  }
0x62: {  	v54 =	vld [tilespmem:s26+$0xFFFFFD00];
	_ =	sdelay $0x2  }
0x63: {  	v5 =	vand.u32 $0xFF0000, v5  }
0x64: {  	vm14 =	veq.s32 v5, $0x0  }
0x65: {  	v5 =	vsel vm14, v54, v0  }
0x66: {  	[tilespmem:s28+$0xFFFFFE80] =	vst v5  }
0x67: {  	v5 =	vld [tilespmem:s26+$0xFFFFFD10];
	_ =	sdelay $0x4  }
0x68: {  	v5 =	vsel vm14, v5, v1  }
0x69: {  	[tilespmem:s28+$0xFFFFFE90] =	vst v5  }
0x6a: {  	v5 =	vld [tilespmem:s26+$0xFFFFFD20];
	_ =	sdelay $0x4  }
0x6b: {  	v5 =	vsel vm14, v5, v2  }
0x6c: {  	[tilespmem:s28+$0xFFFFFEA0] =	vst v5  }
0x6d: {  	v5 =	vld [tilespmem:s26+$0xFFFFFD30];
	_ =	sdelay $0x4  }
0x6e: {  	v5 =	vsel vm14, v5, v3  }
0x6f: {  	[tilespmem:s28+$0xFFFFFEB0] =	vst v5  }
0x70: {  	v4 =	vld.idx.msk [tilespmem:v4+s2+$0x0], $0xffff  }
0x71: {  	v5 =	vld [tilespmem:s26+$0xFFFFFD80];
	_ =	sdelay $0x3  }
0x72: {  	vm15 =	vlt.u32 v4, $0x1000000  }
0x73: {  	v4 =	vsel vm15, v5, v0  }
0x74: {  	[tilespmem:s28+$0xFFFFFEC0] =	vst v4  }
0x75: {  	v4 =	vld [tilespmem:s26+$0xFFFFFD90];
	_ =	sdelay $0x3  }
0x76: {  	s30 =	sadd.s32 $0xFFFFFD00, s25  }
0x77: {  	s0 =	sor.u32 $0x50, s30;
	v4 =	vsel vm15, v4, v1  }
0x78: {  	[tilespmem:s0+$0x10300] =	vst v4  }
0x79: {  	v4 =	vld [tilespmem:s26+$0xFFFFFDA0];
	_ =	sdelay $0x4  }
0x7a: {  	s31 =	sor.u32 $0x60, s30;
	s0 =	sadd.s32 $0x1, s29;
	v4 =	vsel vm15, v4, v2  }
0x7b: {  	[tilespmem:s31+$0x10300] =	vst v4;
	v4 =	vmov s0  }
0x7c: {  	v5 =	vld [tilespmem:s26+$0xFFFFFDB0];
	v4 =	vand.u32 $0xFFFFFFFD, v4  }
0x7d: {  	v4 =	vbroadcast v4, $0x0;
	_ =	sdelay $0x3  }
0x7e: {  	s30 =	sor.u32 $0x70, s30;
	v5 =	vsel vm15, v5, v3  }
0x7f: {  	[tilespmem:s30+$0x10300] =	vst v5  }
0x80: {  	v5 =	vld.idx.msk [tilespmem:v4+s2+$0x0], $0xffff;
	_ =	sdelay $0x1  }
0x81: {  	v55 =	vld [tilespmem:s26+$0xFFFFFE00];
	_ =	sdelay $0x2  }
0x82: {  	v5 =	vand.u32 $0xFF, v5  }
0x83: {  	vm4 =	veq.s32 v5, $0x0  }
0x84: {  	v5 =	vsel vm4, v55, v0  }
0x85: {  	[tilespmem:s28+$0xFFFFFF00] =	vst v5  }
0x86: {  	v5 =	vld [tilespmem:s26+$0xFFFFFE10];
	_ =	sdelay $0x4  }
0x87: {  	v5 =	vsel vm4, v5, v1  }
0x88: {  	[tilespmem:s28+$0xFFFFFF10] =	vst v5  }
0x89: {  	v5 =	vld [tilespmem:s26+$0xFFFFFE20];
	_ =	sdelay $0x4  }
0x8a: {  	v5 =	vsel vm4, v5, v2  }
0x8b: {  	[tilespmem:s28+$0xFFFFFF20] =	vst v5  }
0x8c: {  	v5 =	vld [tilespmem:s26+$0xFFFFFE30];
	_ =	sdelay $0x4  }
0x8d: {  	v5 =	vsel vm4, v5, v3  }
0x8e: {  	[tilespmem:s28+$0xFFFFFF30] =	vst v5  }
0x8f: {  	v5 =	vld.idx.msk [tilespmem:v4+s2+$0x0], $0xffff;
	_ =	sdelay $0x1  }
0x90: {  	v56 =	vld [tilespmem:s26+$0xFFFFFE80];
	_ =	sdelay $0x2  }
0x91: {  	v5 =	vand.u32 $0xFF00, v5  }
0x92: {  	vm5 =	veq.s32 v5, $0x0  }
0x93: {  	v5 =	vsel vm5, v56, v0  }
0x94: {  	[tilespmem:s28+$0xFFFFFF40] =	vst v5  }
0x95: {  	v5 =	vld [tilespmem:s26+$0xFFFFFE90];
	_ =	sdelay $0x3  }
0x96: {  	s0 =	sadd.s32 $0xFFFFFD80, s25  }
0x97: {  	s31 =	sor.u32 $0x50, s0;
	v5 =	vsel vm5, v5, v1  }
0x98: {  	[tilespmem:s31+$0x10300] =	vst v5  }
0x99: {  	v5 =	vld [tilespmem:s26+$0xFFFFFEA0];
	_ =	sdelay $0x4  }
0x9a: {  	s31 =	sor.u32 $0x60, s0;
	v5 =	vsel vm5, v5, v2  }
0x9b: {  	[tilespmem:s31+$0x10300] =	vst v5  }
0x9c: {  	v5 =	vld [tilespmem:s26+$0xFFFFFEB0];
	_ =	sdelay $0x4  }
0x9d: {  	s0 =	sor.u32 $0x70, s0;
	v5 =	vsel vm5, v5, v3  }
0x9e: {  	[tilespmem:s0+$0x10300] =	vst v5  }
0x9f: {  	v5 =	vld.idx.msk [tilespmem:v4+s2+$0x0], $0xffff;
	_ =	sdelay $0x1  }
0xa0: {  	v57 =	vld [tilespmem:s26+$0xFFFFFF00];
	_ =	sdelay $0x2  }
0xa1: {  	v5 =	vand.u32 $0xFF0000, v5  }
0xa2: {  	vm6 =	veq.s32 v5, $0x0  }
0xa3: {  	v5 =	vsel vm6, v57, v0  }
0xa4: {  	[tilespmem:s28+$0xFFFFFF80] =	vst v5  }
0xa5: {  	v5 =	vld [tilespmem:s26+$0xFFFFFF10];
	_ =	sdelay $0x4  }
0xa6: {  	v5 =	vsel vm6, v5, v1  }
0xa7: {  	[tilespmem:s28+$0xFFFFFF90] =	vst v5  }
0xa8: {  	v5 =	vld [tilespmem:s26+$0xFFFFFF20];
	_ =	sdelay $0x4  }
0xa9: {  	v5 =	vsel vm6, v5, v2  }
0xaa: {  	[tilespmem:s28+$0xFFFFFFA0] =	vst v5  }
0xab: {  	v5 =	vld [tilespmem:s26+$0xFFFFFF30];
	_ =	sdelay $0x4  }
0xac: {  	v5 =	vsel vm6, v5, v3  }
0xad: {  	[tilespmem:s28+$0xFFFFFFB0] =	vst v5  }
0xae: {  	v4 =	vld.idx.msk [tilespmem:v4+s2+$0x0], $0xffff  }
0xaf: {  	v5 =	vld [tilespmem:s26+$0xFFFFFF80];
	_ =	sdelay $0x3  }
0xb0: {  	vm7 =	vlt.u32 v4, $0x1000000  }
0xb1: {  	v4 =	vsel vm7, v5, v0  }
0xb2: {  	[tilespmem:s28+$0xFFFFFFC0] =	vst v4  }
0xb3: {  	v4 =	vld [tilespmem:s26+$0xFFFFFF90];
	_ =	sdelay $0x3  }
0xb4: {  	s0 =	sadd.s32 $0xFFFFFE00, s25  }
0xb5: {  	s31 =	sor.u32 $0x50, s0;
	v4 =	vsel vm7, v4, v1  }
0xb6: {  	[tilespmem:s31+$0x10300] =	vst v4  }
0xb7: {  	v4 =	vld [tilespmem:s26+$0xFFFFFFA0];
	_ =	sdelay $0x4  }
0xb8: {  	s30 =	sor.u32 $0x60, s0;
	s31 =	sadd.s32 $0x2, s29;
	v4 =	vsel vm7, v4, v2  }
0xb9: {  	[tilespmem:s30+$0x10300] =	vst v4;
	v4 =	vmov s31  }
0xba: {  	v5 =	vld [tilespmem:s26+$0xFFFFFFB0];
	v4 =	vand.u32 $0xFFFFFFFE, v4  }
0xbb: {  	v4 =	vbroadcast v4, $0x0;
	_ =	sdelay $0x3  }
0xbc: {  	s0 =	sor.u32 $0x70, s0;
	v5 =	vsel vm7, v5, v3  }
0xbd: {  	[tilespmem:s0+$0x10300] =	vst v5  }
0xbe: {  	v5 =	vld.idx.msk [tilespmem:v4+s2+$0x0], $0xffff;
	_ =	sdelay $0x1  }
0xbf: {  	v58 =	vld [tilespmem:s26+$0x0];
	_ =	sdelay $0x2  }
0xc0: {  	v5 =	vand.u32 $0xFF, v5  }
0xc1: {  	vm8 =	veq.s32 v5, $0x0  }
0xc2: {  	v5 =	vsel vm8, v58, v0  }
0xc3: {  	[tilespmem:s28+$0x0] =	vst v5  }
0xc4: {  	v5 =	vld [tilespmem:s26+$0x10];
	_ =	sdelay $0x4  }
0xc5: {  	v5 =	vsel vm8, v5, v1  }
0xc6: {  	[tilespmem:s28+$0x10] =	vst v5  }
0xc7: {  	v5 =	vld [tilespmem:s26+$0x20];
	_ =	sdelay $0x4  }
0xc8: {  	v5 =	vsel vm8, v5, v2  }
0xc9: {  	[tilespmem:s28+$0x20] =	vst v5  }
0xca: {  	v5 =	vld [tilespmem:s26+$0x30];
	_ =	sdelay $0x4  }
0xcb: {  	v5 =	vsel vm8, v5, v3  }
0xcc: {  	[tilespmem:s28+$0x30] =	vst v5  }
0xcd: {  	v5 =	vld.idx.msk [tilespmem:v4+s2+$0x0], $0xffff;
	_ =	sdelay $0x1  }
0xce: {  	v59 =	vld [tilespmem:s26+$0x80];
	_ =	sdelay $0x2  }
0xcf: {  	v5 =	vand.u32 $0xFF00, v5  }
0xd0: {  	vm9 =	veq.s32 v5, $0x0  }
0xd1: {  	v5 =	vsel vm9, v59, v0  }
0xd2: {  	[tilespmem:s28+$0x40] =	vst v5  }
0xd3: {  	v5 =	vld [tilespmem:s26+$0x90];
	_ =	sdelay $0x3  }
0xd4: {  	s0 =	sadd.s32 $0xFFFFFE80, s25  }
0xd5: {  	s31 =	sor.u32 $0x50, s0;
	v5 =	vsel vm9, v5, v1  }
0xd6: {  	[tilespmem:s31+$0x10300] =	vst v5  }
0xd7: {  	v5 =	vld [tilespmem:s26+$0xA0];
	_ =	sdelay $0x4  }
0xd8: {  	s31 =	sor.u32 $0x60, s0;
	v5 =	vsel vm9, v5, v2  }
0xd9: {  	[tilespmem:s31+$0x10300] =	vst v5  }
0xda: {  	v5 =	vld [tilespmem:s26+$0xB0];
	_ =	sdelay $0x4  }
0xdb: {  	s0 =	sor.u32 $0x70, s0;
	v5 =	vsel vm9, v5, v3  }
0xdc: {  	[tilespmem:s0+$0x10300] =	vst v5  }
0xdd: {  	v5 =	vld.idx.msk [tilespmem:v4+s2+$0x0], $0xffff;
	_ =	sdelay $0x1  }
0xde: {  	v60 =	vld [tilespmem:s26+$0x100];
	_ =	sdelay $0x2  }
0xdf: {  	v5 =	vand.u32 $0xFF0000, v5  }
0xe0: {  	vm10 =	veq.s32 v5, $0x0  }
0xe1: {  	v5 =	vsel vm10, v60, v0  }
0xe2: {  	[tilespmem:s28+$0x80] =	vst v5  }
0xe3: {  	v5 =	vld [tilespmem:s26+$0x110];
	_ =	sdelay $0x4  }
0xe4: {  	v5 =	vsel vm10, v5, v1  }
0xe5: {  	[tilespmem:s28+$0x90] =	vst v5  }
0xe6: {  	v5 =	vld [tilespmem:s26+$0x120];
	_ =	sdelay $0x4  }
0xe7: {  	v5 =	vsel vm10, v5, v2  }
0xe8: {  	[tilespmem:s28+$0xA0] =	vst v5  }
0xe9: {  	v5 =	vld [tilespmem:s26+$0x130];
	_ =	sdelay $0x4  }
0xea: {  	v5 =	vsel vm10, v5, v3  }
0xeb: {  	[tilespmem:s28+$0xB0] =	vst v5  }
0xec: {  	v4 =	vld.idx.msk [tilespmem:v4+s2+$0x0], $0xffff  }
0xed: {  	v5 =	vld [tilespmem:s26+$0x180];
	_ =	sdelay $0x3  }
0xee: {  	vm11 =	vlt.u32 v4, $0x1000000  }
0xef: {  	v4 =	vsel vm11, v5, v0  }
0xf0: {  	[tilespmem:s28+$0xC0] =	vst v4  }
0xf1: {  	v4 =	vld [tilespmem:s26+$0x190];
	_ =	sdelay $0x3  }
0xf2: {  	s0 =	sadd.s32 $0xFFFFFF00, s25  }
0xf3: {  	s31 =	sor.u32 $0x50, s0;
	v4 =	vsel vm11, v4, v1  }
0xf4: {  	[tilespmem:s31+$0x10300] =	vst v4  }
0xf5: {  	v4 =	vld [tilespmem:s26+$0x1A0];
	_ =	sdelay $0x4  }
0xf6: {  	s31 =	sor.u32 $0x60, s0;
	v4 =	vsel vm11, v4, v2  }
0xf7: {  	[tilespmem:s31+$0x10300] =	vst v4  }
0xf8: {  	v4 =	vld [tilespmem:s26+$0x1B0]  }
0xf9: {  	s31 =	sadd.s32 $0x3, s29  }
0xfa: {  	v5 =	vmov s31;
	_ =	sdelay $0x2  }
0xfb: {  	s0 =	sor.u32 $0x70, s0;
	v4 =	vsel vm11, v4, v3  }
0xfc: {  	[tilespmem:s0+$0x10300] =	vst v4  }
0xfd: {  	v4 =	vld.idx.msk [tilespmem:v5+s2+$0x0], $0xffff;
	_ =	sdelay $0x1  }
0xfe: {  	v61 =	vld [tilespmem:s26+$0x200];
	_ =	sdelay $0x2  }
0xff: {  	v4 =	vand.u32 $0xFF, v4  }
0x100: {  	vm12 =	veq.s32 v4, $0x0  }
0x101: {  	v4 =	vsel vm12, v61, v0  }
0x102: {  	[tilespmem:s28+$0x100] =	vst v4  }
0x103: {  	v4 =	vld [tilespmem:s26+$0x210];
	_ =	sdelay $0x4  }
0x104: {  	v4 =	vsel vm12, v4, v1  }
0x105: {  	[tilespmem:s28+$0x110] =	vst v4  }
0x106: {  	v4 =	vld [tilespmem:s26+$0x220];
	_ =	sdelay $0x4  }
0x107: {  	v4 =	vsel vm12, v4, v2  }
0x108: {  	[tilespmem:s28+$0x120] =	vst v4  }
0x109: {  	v4 =	vld [tilespmem:s26+$0x230];
	_ =	sdelay $0x4  }
0x10a: {  	v4 =	vsel vm12, v4, v3  }
0x10b: {  	[tilespmem:s28+$0x130] =	vst v4  }
0x10c: {  	v4 =	vld.idx.msk [tilespmem:v5+s2+$0x0], $0xffff;
	_ =	sdelay $0x1  }
0x10d: {  	v62 =	vld [tilespmem:s26+$0x280];
	_ =	sdelay $0x2  }
0x10e: {  	v4 =	vand.u32 $0xFF00, v4  }
0x10f: {  	vm13 =	veq.s32 v4, $0x0  }
0x110: {  	v4 =	vsel vm13, v62, v0  }
0x111: {  	[tilespmem:s28+$0x140] =	vst v4  }
0x112: {  	v4 =	vld [tilespmem:s26+$0x290];
	_ =	sdelay $0x3  }
0x113: {  	s0 =	sadd.s32 $0xFFFFFF80, s25  }
0x114: {  	s31 =	sor.u32 $0x50, s0;
	v4 =	vsel vm13, v4, v1  }
0x115: {  	[tilespmem:s31+$0x10300] =	vst v4  }
0x116: {  	v4 =	vld [tilespmem:s26+$0x2A0];
	_ =	sdelay $0x4  }
0x117: {  	s31 =	sor.u32 $0x60, s0;
	v4 =	vsel vm13, v4, v2  }
0x118: {  	[tilespmem:s31+$0x10300] =	vst v4  }
0x119: {  	v4 =	vld [tilespmem:s26+$0x2B0];
	_ =	sdelay $0x4  }
0x11a: {  	s0 =	sor.u32 $0x70, s0;
	v4 =	vsel vm13, v4, v3  }
0x11b: {  	[tilespmem:s0+$0x10300] =	vst v4  }
0x11c: {  	v4 =	vld.idx.msk [tilespmem:v5+s2+$0x0], $0xffff;
	_ =	sdelay $0x1  }
0x11d: {  	v63 =	vld [tilespmem:s26+$0x300];
	_ =	sdelay $0x2  }
0x11e: {  	v4 =	vand.u32 $0xFF0000, v4  }
0x11f: {  	vm14 =	veq.s32 v4, $0x0  }
0x120: {  	v4 =	vsel vm14, v63, v0  }
0x121: {  	[tilespmem:s28+$0x180] =	vst v4  }
0x122: {  	v4 =	vld [tilespmem:s26+$0x310];
	_ =	sdelay $0x4  }
0x123: {  	v4 =	vsel vm14, v4, v1  }
0x124: {  	[tilespmem:s28+$0x190] =	vst v4  }
0x125: {  	v4 =	vld [tilespmem:s26+$0x320];
	_ =	sdelay $0x4  }
0x126: {  	v4 =	vsel vm14, v4, v2  }
0x127: {  	[tilespmem:s28+$0x1A0] =	vst v4  }
0x128: {  	v4 =	vld [tilespmem:s26+$0x330];
	_ =	sdelay $0x4  }
0x129: {  	v4 =	vsel vm14, v4, v3  }
0x12a: {  	[tilespmem:s28+$0x1B0] =	vst v4  }
0x12b: {  	v4 =	vld.idx.msk [tilespmem:v5+s2+$0x0], $0xffff  }
0x12c: {  	v5 =	vld [tilespmem:s26+$0x380];
	_ =	sdelay $0x3  }
0x12d: {  	vm15 =	vlt.u32 v4, $0x1000000  }
0x12e: {  	v4 =	vsel vm15, v5, v0  }
0x12f: {  	[tilespmem:s28+$0x1C0] =	vst v4  }
0x130: {  	v4 =	vld [tilespmem:s26+$0x390];
	_ =	sdelay $0x4  }
0x131: {  	s31 =	sor.u32 $0x50, s25;
	v4 =	vsel vm15, v4, v1  }
0x132: {  	[tilespmem:s31+$0x10300] =	vst v4  }
0x133: {  	v4 =	vld [tilespmem:s26+$0x3A0];
	_ =	sdelay $0x4  }
0x134: {  	s30 =	sor.u32 $0x60, s25;
	v4 =	vsel vm15, v4, v2  }
0x135: {  	[tilespmem:s30+$0x10300] =	vst v4  }
0x136: {  	v4 =	vld [tilespmem:s26+$0x3B0]  }
0x137: {  	p0 =	sne.s32 s25, $0x7FC0  }
.Ltmp0:
0x138: {  	_ = 	snop;
	(pc) =	sbr.rel @p0 .LBB2_2-.Ltmp0, $3  }
0x139: {  	_ =	sdelay $0x1  }
0x13a: {  	s29 =	sadd.s32 $0x4, s29;
	s31 =	sor.u32 $0x70, s25;
	v4 =	vsel vm15, v4, v3  }
0x13b: {  	s28 =	sadd.s32 $0x400, s28;
	s25 =	sadd.s32 $0x400, s25;
	s26 =	sadd.s32 $0x800, s26;
	[tilespmem:s31+$0x10300] =	vst v4  }
0x13c: {  	s24 =	sadd.s32 $0x1, s24  }
0x13d: {  	p0 =	sne.s32 s24, s11  }
.Ltmp1:
0x13e: {  	_ = 	snop;
	(pc) =	sbr.rel @p0 .LBB2_1-.Ltmp1, $4  }
0x13f: {  	[hbm4b:s10+s2] =	stream.linear.scatter [tilespmem:s23], [sflag:$0x2], $0x8000, $0x38;
	[tilespmem:$0x18300] =	vst v63  }
0x140: {  	_ =	swait.ge [sflag:s13], $0x8000  }
0x141: {  	[sflag:s13] =	ssyncset.done $0x0  }
0x142: {  	[sflag:s13] =	ssyncadd.s32 $0xFFFF8000  }
0x143: {  	_ =	sfence.sel $0x180000  }
0x144: {  	[bflag:$0x0] =	sbarrier.arrive $0xFFFF  }
0x145: {  	_ =	strace $0x90000047  }
0x146: {  	[bflag:$0x2] =	sbarrier.arrive $0xFFFF  }
0x147: {  	p0 =	sne.s32 s1, $0x0;
	s0 =	rddreg [dreg:$0x3]  }
0x148: {  	s0 =	sadd.s32 @!p0 $0x100000, s0  }
0x149: {  	[sflag:s0] =	ssyncadd.tile.s32 @!p0 $0x1;
	_ =	shalt  }
.Lfunc_end2:
_tile_overlayer_lowered:
.L_overlay_start_2:
0x14a: {  	(tag) =	ssettag $0x2  }
0x14b: {  	s0 =	rddreg [dreg:$0x0];
	s2 =	stileid.u32  }
0x14c: {  	s1 =	rddreg [dreg:$0x1];
	p0 =	sne.s32 s2, $0x0  }
0x14d: {  	s3 =	rddreg [dreg:$0x2];
	[bflag:$0x3] =	sbarrier.arrive $0xFFFF;
	s2 =	simm.s32 @!p0 $0x1C02  }
0x14e: {  	[timem:s3], [sflag:s2] =	dma.local @!p0 [hbm:s0], s1  }
0x14f: {  	s0 =	simm.s32 @!p0 $0x2  }
0x150: {  	_ =	swait.ge @!p0 [sflag:s0], s1  }
0x151: {  	s1 =	ssub.s32 @!p0 $0x0, s1;
	[sflag:s0] =	ssyncset.done @!p0 $0x0  }
0x152: {  	[sflag:s0] =	ssyncadd.s32 @!p0 s1  }
0x153: {  	[bflag:$0x3] =	sbarrier.arrive $0xFFFF  }
0x154: {  	_ =	shalt  }

</sc_bundles>
